<compile_context>
chip_gen: v7x
topology: tpu7x:2x2x1
jax: 0.10.2.dev20260603
libtpu: 0.0.44.dev20260713+nightly
codegen_flags: <defaults>
</compile_context>

<pallas_src>
import functools
import math

import jax
import jax.numpy as jnp
from jax.experimental import pallas as pl
from jax.experimental.pallas import tpu as pltpu

_NUM_CLASSES = 13


def _square_distance(src, dst):
    return (jnp.sum(src * src, -1)[:, :, None]
            + jnp.sum(dst * dst, -1)[:, None, :]
            - 2.0 * jnp.einsum('bnc,bmc->bnm', src, dst))


def _index_points(points, idx):
    return jax.vmap(lambda p, i: p[i])(points, idx)


def _fps_kernel(x_ref, y_ref, z_ref, nx_ref):
    X = x_ref[...]
    Y = y_ref[...]
    Z = z_ref[...]
    B, N = X.shape
    npoint = nx_ref.shape[1]
    lane = jax.lax.broadcasted_iota(jnp.int32, (B, N), 1)
    lane_s = jax.lax.broadcasted_iota(jnp.int32, (B, npoint), 1)

    def body(i, carry):
        dist, far, ai = carry
        oh = lane == far
        cx = jnp.sum(jnp.where(oh, X, 0.0), axis=1, keepdims=True)
        cy = jnp.sum(jnp.where(oh, Y, 0.0), axis=1, keepdims=True)
        cz = jnp.sum(jnp.where(oh, Z, 0.0), axis=1, keepdims=True)
        farf = jnp.max(jnp.where(oh, lane.astype(jnp.float32), -1.0),
                       axis=1, keepdims=True)
        ai = jnp.where(lane_s == i, farf, ai)
        d = (X - cx) ** 2 + (Y - cy) ** 2 + (Z - cz) ** 2
        dist = jnp.minimum(dist, d)
        m = jnp.max(dist, axis=1, keepdims=True)
        far = jnp.min(jnp.where(dist == m, lane, N), axis=1, keepdims=True)
        return dist, far, ai

    init = (jnp.full((B, N), 1e10, jnp.float32),
            jnp.zeros((B, 1), jnp.int32),
            X[:, :npoint] * 0.0)
    _, _, ai = jax.lax.fori_loop(0, npoint, body, init)
    nx_ref[...] = ai.astype(jnp.int32)


def _fps_xla(xyz_t, npoint):
    B, N, _ = xyz_t.shape

    def body(i, state):
        centroids, distance, farthest = state
        centroids = centroids.at[:, i].set(farthest)
        centroid = jnp.take_along_axis(
            xyz_t, farthest[:, None, None].astype(jnp.int32), axis=1)
        dist = jnp.sum((xyz_t - centroid) ** 2, axis=-1)
        distance = jnp.minimum(distance, dist)
        farthest = jnp.argmax(distance, axis=-1).astype(jnp.int32)
        return (centroids, distance, farthest)

    init = (jnp.zeros((B, npoint), jnp.int32),
            jnp.full((B, N), 1e10, jnp.float32),
            jnp.zeros((B,), jnp.int32))
    centroids, _, _ = jax.lax.fori_loop(0, npoint, body, init,
                                        unroll=8)
    return centroids


def _fps_idx(xyz_cmaj, npoint):
    B, _, N = xyz_cmaj.shape
    return pl.pallas_call(
        _fps_kernel,
        out_shape=jax.ShapeDtypeStruct((B, npoint), jnp.int32),
    )(xyz_cmaj[:, 0, :], xyz_cmaj[:, 1, :], xyz_cmaj[:, 2, :])


def _query_ball(radius, nsample, xyz, new_xyz):
    B, N, _ = xyz.shape
    S = new_xyz.shape[1]
    sqrdists = _square_distance(new_xyz, xyz)
    group_idx = jnp.broadcast_to(jnp.arange(N, dtype=jnp.int32), (B, S, N))
    group_idx = jnp.where(sqrdists > radius ** 2, N, group_idx)
    group_idx = -jax.lax.top_k(-group_idx, nsample)[0]
    group_first = jnp.broadcast_to(group_idx[:, :, :1], group_idx.shape)
    group_idx = jnp.where(group_idx == N, group_first, group_idx)
    return group_idx


def _batchnorm(x, g, b, axis=1):
    axes = tuple(i for i in range(x.ndim) if i != axis)
    m = jnp.mean(x, axes, keepdims=True)
    v = jnp.var(x, axes, keepdims=True)
    shp = [1] * x.ndim
    shp[axis] = -1
    return g.reshape(shp) * (x - m) / jnp.sqrt(v + 1e-5) + b.reshape(shp)


def _sa_msg(xyz, points, branches, npoint, radii, nsamples):
    xyz_t = jnp.transpose(xyz, (0, 2, 1))
    points_t = jnp.transpose(points, (0, 2, 1)) if points is not None else None
    fps_idx = _fps_xla(xyz_t, npoint)
    new_xyz = _index_points(xyz_t, fps_idx)
    outs = []
    for i in range(len(radii)):
        gidx = _query_ball(radii[i], nsamples[i], xyz_t, new_xyz)
        grouped_xyz = _index_points(xyz_t, gidx) - new_xyz[:, :, None, :]
        if points_t is not None:
            gp = jnp.concatenate([_index_points(points_t, gidx), grouped_xyz],
                                 axis=-1)
        else:
            gp = grouped_xyz
        h = jnp.transpose(gp, (0, 3, 2, 1))
        for layer in branches[i]:
            h = (jnp.einsum('oc,bcks->boks', layer['W'], h)
                 + layer['b'][None, :, None, None])
            h = jax.nn.relu(_batchnorm(h, layer['g'], layer['be']))
        outs.append(jnp.max(h, axis=2))
    return jnp.transpose(new_xyz, (0, 2, 1)), jnp.concatenate(outs, axis=1)


def _feature_prop(xyz1, xyz2, points1, points2, layers):
    x1 = jnp.transpose(xyz1, (0, 2, 1))
    x2 = jnp.transpose(xyz2, (0, 2, 1))
    p2 = jnp.transpose(points2, (0, 2, 1))
    B, N, _ = x1.shape
    S = x2.shape[1]
    if S == 1:
        interp = jnp.repeat(p2, N, axis=1)
    else:
        dists = _square_distance(x1, x2)
        _, idx = jax.lax.top_k(-dists, 3)
        d = jnp.take_along_axis(dists, idx, axis=-1)
        recip = 1.0 / (d + 1e-8)
        weight = recip / jnp.sum(recip, axis=2, keepdims=True)
        gathered = jax.vmap(lambda p, i: p[i])(p2, idx)
        interp = jnp.sum(gathered * weight[..., None], axis=2)
    if points1 is not None:
        p1 = jnp.transpose(points1, (0, 2, 1))
        newp = jnp.concatenate([p1, interp], axis=-1)
    else:
        newp = interp
    h = jnp.transpose(newp, (0, 2, 1))
    for layer in layers:
        h = (jnp.einsum('oc,bcn->bon', layer['W'], h)
             + layer['b'][None, :, None])
        h = jax.nn.relu(_batchnorm(h, layer['g'], layer['be']))
    return h



def _head_kernel(x_ref, w1_ref, b1_ref, g1_ref, be1_ref, w2_ref, b2_ref,
                 out_ref):
    B = x_ref.shape[0]
    w1 = w1_ref[...]
    b1 = b1_ref[...]
    w2 = w2_ref[...]
    b2 = b2_ref[...]
    hs = []
    s1 = jnp.zeros((w1.shape[0], 1), jnp.float32)
    s2 = jnp.zeros((w1.shape[0], 1), jnp.float32)
    for b in range(B):
        h = jnp.dot(w1, x_ref[b], preferred_element_type=jnp.float32)
        h = h + b1[:, None]
        hs.append(h)
        s1 = s1 + jnp.sum(h, axis=1, keepdims=True)
        s2 = s2 + jnp.sum(h * h, axis=1, keepdims=True)
    cnt = float(B * x_ref.shape[2])
    m = s1 / cnt
    v = s2 / cnt - m * m
    scale = g1_ref[...][:, None] * jax.lax.rsqrt(v + 1e-5)
    shift = be1_ref[...][:, None] - m * scale
    for b in range(B):
        h = jax.nn.relu(hs[b] * scale + shift)
        h2 = jnp.dot(w2, h, preferred_element_type=jnp.float32) + b2[:, None]
        z = h2[:_NUM_CLASSES, :]
        zmax = jnp.max(z, axis=0, keepdims=True)
        ls = z - zmax - jnp.log(jnp.sum(jnp.exp(z - zmax), axis=0,
                                        keepdims=True))
        pad = jnp.zeros((h2.shape[0] - _NUM_CLASSES, h2.shape[1]), jnp.float32)
        out_ref[b] = jnp.concatenate([ls, pad], axis=0)


def _head(l0_out, p_conv1, p_bn1, p_conv2):
    B, C, N = l0_out.shape
    w2 = jnp.zeros((16, C), jnp.float32).at[:_NUM_CLASSES].set(p_conv2['W'])
    b2 = jnp.zeros((16,), jnp.float32).at[:_NUM_CLASSES].set(p_conv2['b'])
    out = pl.pallas_call(
        _head_kernel,
        out_shape=jax.ShapeDtypeStruct((B, 16, N), jnp.float32),
    )(l0_out, p_conv1['W'], p_conv1['b'], p_bn1['g'], p_bn1['be'], w2, b2)
    return out[:, :_NUM_CLASSES, :]


def kernel(xyz, params):
    l0_points = xyz
    l0_xyz = xyz[:, :3, :]
    l1_xyz, l1_points = _sa_msg(l0_xyz, l0_points, params['sa1'], 1024,
                                [0.05, 0.1], [16, 32])
    l2_xyz, l2_points = _sa_msg(l1_xyz, l1_points, params['sa2'], 256,
                                [0.1, 0.2], [16, 32])
    l3_xyz, l3_points = _sa_msg(l2_xyz, l2_points, params['sa3'], 64,
                                [0.2, 0.4], [16, 32])
    l4_xyz, l4_points = _sa_msg(l3_xyz, l3_points, params['sa4'], 16,
                                [0.4, 0.8], [16, 32])
    l3_points = _feature_prop(l3_xyz, l4_xyz, l3_points, l4_points,
                              params['fp4'])
    l2_points = _feature_prop(l2_xyz, l3_xyz, l2_points, l3_points,
                              params['fp3'])
    l1_points = _feature_prop(l1_xyz, l2_xyz, l1_points, l2_points,
                              params['fp2'])
    l0_out = _feature_prop(l0_xyz, l1_xyz, None, l1_points, params['fp1'])
    h = _head(l0_out, params['conv1'], params['bn1'], params['conv2'])
    x = jnp.transpose(h, (0, 2, 1))
    return x, l4_points

# --- scband reference (transcript-rebuilt; emitter-appended) ---
"""Pipeline reference for scband-get-model-50431505989771 (READ-ONLY COPY).

The authoritative reference and input builder live on the scoring server;
editing this copy changes nothing except your own understanding.
"""

import jax, jax.numpy as jnp
import numpy as np

NUM_CLASSES = 13


def square_distance(src, dst):
    return jnp.sum(src * src, -1)[:, :, None] + jnp.sum(dst * dst, -1)[:, None, :] - 2.0 * jnp.einsum('bnc,bmc->bnm', src, dst)


def index_points(points, idx):
    return jax.vmap(lambda p, i: p[i])(points, idx)


def farthest_point_sample(xyz, npoint):
    B, N, _ = xyz.shape

    def body(i, state):
        centroids, distance, farthest = state
        centroids = centroids.at[:, i].set(farthest)
        centroid = jnp.take_along_axis(xyz, farthest[:, None, None].astype(jnp.int32), axis=1)
        dist = jnp.sum((xyz - centroid) ** 2, axis=-1)
        distance = jnp.minimum(distance, dist)
        farthest = jnp.argmax(distance, axis=-1).astype(jnp.int32)
        return (centroids, distance, farthest)

    init = (jnp.zeros((B, npoint), jnp.int32), jnp.full((B, N), 1e10, jnp.float32), jnp.zeros((B,), jnp.int32))
    centroids, _, _ = jax.lax.fori_loop(0, npoint, body, init)
    return centroids


def query_ball_point(radius, nsample, xyz, new_xyz):
    B, N, _ = xyz.shape
    S = new_xyz.shape[1]
    sqrdists = square_distance(new_xyz, xyz)
    group_idx = jnp.broadcast_to(jnp.arange(N, dtype=jnp.int32), (B, S, N))
    group_idx = jnp.where(sqrdists > radius ** 2, N, group_idx)
    group_idx = jnp.sort(group_idx, axis=-1)[:, :, :nsample]
    group_first = jnp.broadcast_to(group_idx[:, :, :1], group_idx.shape)
    group_idx = jnp.where(group_idx == N, group_first, group_idx)
    return group_idx


def batchnorm(x, g, b, axis=1):
    axes = tuple(i for i in range(x.ndim) if i != axis)
    m = jnp.mean(x, axes, keepdims=True)
    v = jnp.var(x, axes, keepdims=True)
    shp = [1] * x.ndim
    shp[axis] = -1
    return g.reshape(shp) * (x - m) / jnp.sqrt(v + 1e-5) + b.reshape(shp)


def sa_msg(xyz, points, branches, npoint, radii, nsamples):
    xyz_t = jnp.transpose(xyz, (0, 2, 1))
    points_t = jnp.transpose(points, (0, 2, 1)) if points is not None else None
    fps_idx = farthest_point_sample(jax.lax.stop_gradient(xyz_t), npoint)
    new_xyz = index_points(xyz_t, fps_idx)
    outs = []
    for i in range(len(radii)):
        gidx = query_ball_point(radii[i], nsamples[i], jax.lax.stop_gradient(xyz_t), jax.lax.stop_gradient(new_xyz))
        grouped_xyz = index_points(xyz_t, gidx) - new_xyz[:, :, None, :]
        if points_t is not None:
            gp = jnp.concatenate([index_points(points_t, gidx), grouped_xyz], axis=-1)
        else:
            gp = grouped_xyz
        h = jnp.transpose(gp, (0, 3, 2, 1))
        for layer in branches[i]:
            h = jnp.einsum('oc,bcks->boks', layer['W'], h) + layer['b'][None, :, None, None]
            h = jax.nn.relu(batchnorm(h, layer['g'], layer['be']))
        outs.append(jnp.max(h, axis=2))
    return jnp.transpose(new_xyz, (0, 2, 1)), jnp.concatenate(outs, axis=1)


def feature_prop(xyz1, xyz2, points1, points2, layers):
    x1 = jnp.transpose(xyz1, (0, 2, 1))
    x2 = jnp.transpose(xyz2, (0, 2, 1))
    p2 = jnp.transpose(points2, (0, 2, 1))
    B, N, _ = x1.shape
    S = x2.shape[1]
    if S == 1:
        interp = jnp.repeat(p2, N, axis=1)
    else:
        dists = square_distance(x1, x2)
        _, idx = jax.lax.top_k(-jax.lax.stop_gradient(dists), 3)
        d = jnp.take_along_axis(dists, idx, axis=-1)
        recip = 1.0 / (d + 1e-8)
        weight = recip / jnp.sum(recip, axis=2, keepdims=True)
        gathered = jax.vmap(lambda p, i: p[i])(p2, idx)
        interp = jnp.sum(gathered * weight[..., None], axis=2)
    if points1 is not None:
        p1 = jnp.transpose(points1, (0, 2, 1))
        newp = jnp.concatenate([p1, interp], axis=-1)
    else:
        newp = interp
    h = jnp.transpose(newp, (0, 2, 1))
    for layer in layers:
        h = jnp.einsum('oc,bcn->bon', layer['W'], h) + layer['b'][None, :, None]
        h = jax.nn.relu(batchnorm(h, layer['g'], layer['be']))
    return h


def model_forward(xyz, params):
    l0_points = xyz
    l0_xyz = xyz[:, :3, :]
    l1_xyz, l1_points = sa_msg(l0_xyz, l0_points, params['sa1'], 1024, [0.05, 0.1], [16, 32])
    l2_xyz, l2_points = sa_msg(l1_xyz, l1_points, params['sa2'], 256, [0.1, 0.2], [16, 32])
    l3_xyz, l3_points = sa_msg(l2_xyz, l2_points, params['sa3'], 64, [0.2, 0.4], [16, 32])
    l4_xyz, l4_points = sa_msg(l3_xyz, l3_points, params['sa4'], 16, [0.4, 0.8], [16, 32])
    l3_points = feature_prop(l3_xyz, l4_xyz, l3_points, l4_points, params['fp4'])
    l2_points = feature_prop(l2_xyz, l3_xyz, l2_points, l3_points, params['fp3'])
    l1_points = feature_prop(l1_xyz, l2_xyz, l1_points, l2_points, params['fp2'])
    l0_out = feature_prop(l0_xyz, l1_xyz, None, l1_points, params['fp1'])
    h = jnp.einsum('oc,bcn->bon', params['conv1']['W'], l0_out) + params['conv1']['b'][None, :, None]
    h = jax.nn.relu(batchnorm(h, params['bn1']['g'], params['bn1']['be']))
    h = jnp.einsum('oc,bcn->bon', params['conv2']['W'], h) + params['conv2']['b'][None, :, None]
    h = jax.nn.log_softmax(h, axis=1)
    x = jnp.transpose(h, (0, 2, 1))
    return x, l4_points


def make_params():
    rs = np.random.RandomState(0)

    def branch(c, mlp):
        layers = []
        for o in mlp:
            layers.append({'W': jnp.asarray((rs.randn(o, c) * np.sqrt(2.0 / c)).astype(np.float32)),
                           'b': jnp.zeros((o,), jnp.float32),
                           'g': jnp.ones((o,), jnp.float32),
                           'be': jnp.zeros((o,), jnp.float32)})
            c = o
        return layers

    params = {}
    params['sa1'] = [branch(9 + 3, [16, 16, 32]), branch(9 + 3, [32, 32, 64])]
    params['sa2'] = [branch(96 + 3, [64, 64, 128]), branch(96 + 3, [64, 96, 128])]
    params['sa3'] = [branch(256 + 3, [128, 196, 256]), branch(256 + 3, [128, 196, 256])]
    params['sa4'] = [branch(512 + 3, [256, 256, 512]), branch(512 + 3, [256, 384, 512])]
    params['fp4'] = branch(1536, [256, 256])
    params['fp3'] = branch(512, [256, 256])
    params['fp2'] = branch(352, [256, 128])
    params['fp1'] = branch(128, [128, 128, 128])
    params['conv1'] = {'W': jnp.asarray((rs.randn(128, 128) * np.sqrt(2.0 / 128)).astype(np.float32)), 'b': jnp.zeros((128,), jnp.float32)}
    params['bn1'] = {'g': jnp.ones((128,), jnp.float32), 'be': jnp.zeros((128,), jnp.float32)}
    params['conv2'] = {'W': jnp.asarray((rs.randn(NUM_CLASSES, 128) * np.sqrt(2.0 / 128)).astype(np.float32)), 'b': jnp.zeros((NUM_CLASSES,), jnp.float32)}
    return params


def setup_inputs(seed: int = 0):
    key = jax.random.key(seed)
    xyz = jax.random.uniform(key, (8, 9, 4096), dtype=jnp.float32)
    return {'xyz': xyz, 'params': make_params()}


def reference(xyz, params):
    return model_forward(xyz, params)

if __name__ == "__main__":
    import jax
    _d = setup_inputs()
    print(jax.jit(kernel)(*tuple(_d.values())))

</pallas_src>

<mosaic_0001>
module attributes {stable_mosaic.version = 14 : i64} {
  func.func @_head_kernel(%arg0: memref<8x128x4096xf32, #tpu.memory_space<vmem>>, %arg1: memref<128x128xf32, #tpu.memory_space<vmem>>, %arg2: memref<128xf32, #tpu.memory_space<vmem>>, %arg3: memref<128xf32, #tpu.memory_space<vmem>>, %arg4: memref<128xf32, #tpu.memory_space<vmem>>, %arg5: memref<16x128xf32, #tpu.memory_space<vmem>>, %arg6: memref<16xf32, #tpu.memory_space<vmem>>, %arg7: memref<8x16x4096xf32, #tpu.memory_space<vmem>>) attributes {dimension_semantics = [], scalar_prefetch = 0 : i64, scratch_operands = 0 : i64, tpu.core_type = #tpu.core_type<tc>} {
    %get3A = arith.constant 0 : index
    %get3A_0 = arith.constant 0 : index
    %get3A_1 = vector.load %arg1[%get3A, %get3A_0] : memref<128x128xf32, #tpu.memory_space<vmem>>, vector<128x128xf32>
    %get3A_2 = arith.constant 0 : index
    %get3A_3 = vector.load %arg2[%get3A_2] : memref<128xf32, #tpu.memory_space<vmem>>, vector<128xf32>
    %get3A_4 = arith.constant 0 : index
    %get3A_5 = arith.constant 0 : index
    %get3A_6 = vector.load %arg5[%get3A_4, %get3A_5] : memref<16x128xf32, #tpu.memory_space<vmem>>, vector<16x128xf32>
    %get3A_7 = arith.constant 0 : index
    %get3A_8 = vector.load %arg6[%get3A_7] : memref<16xf32, #tpu.memory_space<vmem>>, vector<16xf32>
    %broadcast_in_dim3A = arith.constant 0.000000e+00 : f32
    %broadcast_in_dim3A_9 = vector.broadcast %broadcast_in_dim3A : f32 to vector<128x1xf32>
    %broadcast_in_dim3A_10 = arith.constant 0.000000e+00 : f32
    %broadcast_in_dim3A_11 = vector.broadcast %broadcast_in_dim3A_10 : f32 to vector<128x1xf32>
    %get3A_12 = arith.constant 0 : index
    %get3A_13 = arith.constant 0 : index
    %get3A_14 = arith.constant 0 : index
    %get3A_15 = vector.load %arg0[%get3A_12, %get3A_13, %get3A_14] : memref<8x128x4096xf32, #tpu.memory_space<vmem>>, vector<1x128x4096xf32>
    %get3A_16 = vector.shape_cast %get3A_15 : vector<1x128x4096xf32> to vector<128x4096xf32>
    %dot_general3A = arith.constant dense<0.000000e+00> : vector<128x4096xf32>
    %dot_general3A_17 = tpu.matmul %get3A_1, %get3A_16, %dot_general3A {dimension_numbers = #tpu.dot_dimension_numbers<[1], [0], [0], [1], [0, 0, 1, 1], [], []>, transpose_lhs_hint = false} : vector<128x128xf32>, vector<128x4096xf32>, vector<128x4096xf32> -> vector<128x4096xf32>
    %broadcast_in_dim3A_18 = vector.shape_cast %get3A_3 : vector<128xf32> to vector<128x1xf32>
    %add3A = vector.broadcast %broadcast_in_dim3A_18 : vector<128x1xf32> to vector<128x4096xf32>
    %add3A_19 = arith.addf %dot_general3A_17, %add3A : vector<128x4096xf32>
    %reduce_sum3A = arith.constant dense<0.000000e+00> : vector<128xf32>
    %reduce_sum3A_20 = vector.multi_reduction <add>, %add3A_19, %reduce_sum3A [1] : vector<128x4096xf32> to vector<128xf32>
    %broadcast_in_dim3A_21 = vector.shape_cast %reduce_sum3A_20 : vector<128xf32> to vector<128x1xf32>
    %add3A_22 = arith.addf %broadcast_in_dim3A_9, %broadcast_in_dim3A_21 : vector<128x1xf32>
    %mul3A = arith.mulf %add3A_19, %add3A_19 : vector<128x4096xf32>
    %reduce_sum3A_23 = arith.constant dense<0.000000e+00> : vector<128xf32>
    %reduce_sum3A_24 = vector.multi_reduction <add>, %mul3A, %reduce_sum3A_23 [1] : vector<128x4096xf32> to vector<128xf32>
    %broadcast_in_dim3A_25 = vector.shape_cast %reduce_sum3A_24 : vector<128xf32> to vector<128x1xf32>
    %add3A_26 = arith.addf %broadcast_in_dim3A_11, %broadcast_in_dim3A_25 : vector<128x1xf32>
    %get3A_27 = arith.constant 1 : index
    %get3A_28 = arith.constant 0 : index
    %get3A_29 = arith.constant 0 : index
    %get3A_30 = vector.load %arg0[%get3A_27, %get3A_28, %get3A_29] : memref<8x128x4096xf32, #tpu.memory_space<vmem>>, vector<1x128x4096xf32>
    %get3A_31 = vector.shape_cast %get3A_30 : vector<1x128x4096xf32> to vector<128x4096xf32>
    %dot_general3A_32 = arith.constant dense<0.000000e+00> : vector<128x4096xf32>
    %dot_general3A_33 = tpu.matmul %get3A_1, %get3A_31, %dot_general3A_32 {dimension_numbers = #tpu.dot_dimension_numbers<[1], [0], [0], [1], [0, 0, 1, 1], [], []>, transpose_lhs_hint = false} : vector<128x128xf32>, vector<128x4096xf32>, vector<128x4096xf32> -> vector<128x4096xf32>
    %broadcast_in_dim3A_34 = vector.shape_cast %get3A_3 : vector<128xf32> to vector<128x1xf32>
    %add3A_35 = vector.broadcast %broadcast_in_dim3A_34 : vector<128x1xf32> to vector<128x4096xf32>
    %add3A_36 = arith.addf %dot_general3A_33, %add3A_35 : vector<128x4096xf32>
    %reduce_sum3A_37 = arith.constant dense<0.000000e+00> : vector<128xf32>
    %reduce_sum3A_38 = vector.multi_reduction <add>, %add3A_36, %reduce_sum3A_37 [1] : vector<128x4096xf32> to vector<128xf32>
    %broadcast_in_dim3A_39 = vector.shape_cast %reduce_sum3A_38 : vector<128xf32> to vector<128x1xf32>
    %add3A_40 = arith.addf %add3A_22, %broadcast_in_dim3A_39 : vector<128x1xf32>
    %mul3A_41 = arith.mulf %add3A_36, %add3A_36 : vector<128x4096xf32>
    %reduce_sum3A_42 = arith.constant dense<0.000000e+00> : vector<128xf32>
    %reduce_sum3A_43 = vector.multi_reduction <add>, %mul3A_41, %reduce_sum3A_42 [1] : vector<128x4096xf32> to vector<128xf32>
    %broadcast_in_dim3A_44 = vector.shape_cast %reduce_sum3A_43 : vector<128xf32> to vector<128x1xf32>
    %add3A_45 = arith.addf %add3A_26, %broadcast_in_dim3A_44 : vector<128x1xf32>
    %get3A_46 = arith.constant 2 : index
    %get3A_47 = arith.constant 0 : index
    %get3A_48 = arith.constant 0 : index
    %get3A_49 = vector.load %arg0[%get3A_46, %get3A_47, %get3A_48] : memref<8x128x4096xf32, #tpu.memory_space<vmem>>, vector<1x128x4096xf32>
    %get3A_50 = vector.shape_cast %get3A_49 : vector<1x128x4096xf32> to vector<128x4096xf32>
    %dot_general3A_51 = arith.constant dense<0.000000e+00> : vector<128x4096xf32>
    %dot_general3A_52 = tpu.matmul %get3A_1, %get3A_50, %dot_general3A_51 {dimension_numbers = #tpu.dot_dimension_numbers<[1], [0], [0], [1], [0, 0, 1, 1], [], []>, transpose_lhs_hint = false} : vector<128x128xf32>, vector<128x4096xf32>, vector<128x4096xf32> -> vector<128x4096xf32>
    %broadcast_in_dim3A_53 = vector.shape_cast %get3A_3 : vector<128xf32> to vector<128x1xf32>
    %add3A_54 = vector.broadcast %broadcast_in_dim3A_53 : vector<128x1xf32> to vector<128x4096xf32>
    %add3A_55 = arith.addf %dot_general3A_52, %add3A_54 : vector<128x4096xf32>
    %reduce_sum3A_56 = arith.constant dense<0.000000e+00> : vector<128xf32>
    %reduce_sum3A_57 = vector.multi_reduction <add>, %add3A_55, %reduce_sum3A_56 [1] : vector<128x4096xf32> to vector<128xf32>
    %broadcast_in_dim3A_58 = vector.shape_cast %reduce_sum3A_57 : vector<128xf32> to vector<128x1xf32>
    %add3A_59 = arith.addf %add3A_40, %broadcast_in_dim3A_58 : vector<128x1xf32>
    %mul3A_60 = arith.mulf %add3A_55, %add3A_55 : vector<128x4096xf32>
    %reduce_sum3A_61 = arith.constant dense<0.000000e+00> : vector<128xf32>
    %reduce_sum3A_62 = vector.multi_reduction <add>, %mul3A_60, %reduce_sum3A_61 [1] : vector<128x4096xf32> to vector<128xf32>
    %broadcast_in_dim3A_63 = vector.shape_cast %reduce_sum3A_62 : vector<128xf32> to vector<128x1xf32>
    %add3A_64 = arith.addf %add3A_45, %broadcast_in_dim3A_63 : vector<128x1xf32>
    %get3A_65 = arith.constant 3 : index
    %get3A_66 = arith.constant 0 : index
    %get3A_67 = arith.constant 0 : index
    %get3A_68 = vector.load %arg0[%get3A_65, %get3A_66, %get3A_67] : memref<8x128x4096xf32, #tpu.memory_space<vmem>>, vector<1x128x4096xf32>
    %get3A_69 = vector.shape_cast %get3A_68 : vector<1x128x4096xf32> to vector<128x4096xf32>
    %dot_general3A_70 = arith.constant dense<0.000000e+00> : vector<128x4096xf32>
    %dot_general3A_71 = tpu.matmul %get3A_1, %get3A_69, %dot_general3A_70 {dimension_numbers = #tpu.dot_dimension_numbers<[1], [0], [0], [1], [0, 0, 1, 1], [], []>, transpose_lhs_hint = false} : vector<128x128xf32>, vector<128x4096xf32>, vector<128x4096xf32> -> vector<128x4096xf32>
    %broadcast_in_dim3A_72 = vector.shape_cast %get3A_3 : vector<128xf32> to vector<128x1xf32>
    %add3A_73 = vector.broadcast %broadcast_in_dim3A_72 : vector<128x1xf32> to vector<128x4096xf32>
    %add3A_74 = arith.addf %dot_general3A_71, %add3A_73 : vector<128x4096xf32>
    %reduce_sum3A_75 = arith.constant dense<0.000000e+00> : vector<128xf32>
    %reduce_sum3A_76 = vector.multi_reduction <add>, %add3A_74, %reduce_sum3A_75 [1] : vector<128x4096xf32> to vector<128xf32>
    %broadcast_in_dim3A_77 = vector.shape_cast %reduce_sum3A_76 : vector<128xf32> to vector<128x1xf32>
    %add3A_78 = arith.addf %add3A_59, %broadcast_in_dim3A_77 : vector<128x1xf32>
    %mul3A_79 = arith.mulf %add3A_74, %add3A_74 : vector<128x4096xf32>
    %reduce_sum3A_80 = arith.constant dense<0.000000e+00> : vector<128xf32>
    %reduce_sum3A_81 = vector.multi_reduction <add>, %mul3A_79, %reduce_sum3A_80 [1] : vector<128x4096xf32> to vector<128xf32>
    %broadcast_in_dim3A_82 = vector.shape_cast %reduce_sum3A_81 : vector<128xf32> to vector<128x1xf32>
    %add3A_83 = arith.addf %add3A_64, %broadcast_in_dim3A_82 : vector<128x1xf32>
    %get3A_84 = arith.constant 4 : index
    %get3A_85 = arith.constant 0 : index
    %get3A_86 = arith.constant 0 : index
    %get3A_87 = vector.load %arg0[%get3A_84, %get3A_85, %get3A_86] : memref<8x128x4096xf32, #tpu.memory_space<vmem>>, vector<1x128x4096xf32>
    %get3A_88 = vector.shape_cast %get3A_87 : vector<1x128x4096xf32> to vector<128x4096xf32>
    %dot_general3A_89 = arith.constant dense<0.000000e+00> : vector<128x4096xf32>
    %dot_general3A_90 = tpu.matmul %get3A_1, %get3A_88, %dot_general3A_89 {dimension_numbers = #tpu.dot_dimension_numbers<[1], [0], [0], [1], [0, 0, 1, 1], [], []>, transpose_lhs_hint = false} : vector<128x128xf32>, vector<128x4096xf32>, vector<128x4096xf32> -> vector<128x4096xf32>
    %broadcast_in_dim3A_91 = vector.shape_cast %get3A_3 : vector<128xf32> to vector<128x1xf32>
    %add3A_92 = vector.broadcast %broadcast_in_dim3A_91 : vector<128x1xf32> to vector<128x4096xf32>
    %add3A_93 = arith.addf %dot_general3A_90, %add3A_92 : vector<128x4096xf32>
    %reduce_sum3A_94 = arith.constant dense<0.000000e+00> : vector<128xf32>
    %reduce_sum3A_95 = vector.multi_reduction <add>, %add3A_93, %reduce_sum3A_94 [1] : vector<128x4096xf32> to vector<128xf32>
    %broadcast_in_dim3A_96 = vector.shape_cast %reduce_sum3A_95 : vector<128xf32> to vector<128x1xf32>
    %add3A_97 = arith.addf %add3A_78, %broadcast_in_dim3A_96 : vector<128x1xf32>
    %mul3A_98 = arith.mulf %add3A_93, %add3A_93 : vector<128x4096xf32>
    %reduce_sum3A_99 = arith.constant dense<0.000000e+00> : vector<128xf32>
    %reduce_sum3A_100 = vector.multi_reduction <add>, %mul3A_98, %reduce_sum3A_99 [1] : vector<128x4096xf32> to vector<128xf32>
    %broadcast_in_dim3A_101 = vector.shape_cast %reduce_sum3A_100 : vector<128xf32> to vector<128x1xf32>
    %add3A_102 = arith.addf %add3A_83, %broadcast_in_dim3A_101 : vector<128x1xf32>
    %get3A_103 = arith.constant 5 : index
    %get3A_104 = arith.constant 0 : index
    %get3A_105 = arith.constant 0 : index
    %get3A_106 = vector.load %arg0[%get3A_103, %get3A_104, %get3A_105] : memref<8x128x4096xf32, #tpu.memory_space<vmem>>, vector<1x128x4096xf32>
    %get3A_107 = vector.shape_cast %get3A_106 : vector<1x128x4096xf32> to vector<128x4096xf32>
    %dot_general3A_108 = arith.constant dense<0.000000e+00> : vector<128x4096xf32>
    %dot_general3A_109 = tpu.matmul %get3A_1, %get3A_107, %dot_general3A_108 {dimension_numbers = #tpu.dot_dimension_numbers<[1], [0], [0], [1], [0, 0, 1, 1], [], []>, transpose_lhs_hint = false} : vector<128x128xf32>, vector<128x4096xf32>, vector<128x4096xf32> -> vector<128x4096xf32>
    %broadcast_in_dim3A_110 = vector.shape_cast %get3A_3 : vector<128xf32> to vector<128x1xf32>
    %add3A_111 = vector.broadcast %broadcast_in_dim3A_110 : vector<128x1xf32> to vector<128x4096xf32>
    %add3A_112 = arith.addf %dot_general3A_109, %add3A_111 : vector<128x4096xf32>
    %reduce_sum3A_113 = arith.constant dense<0.000000e+00> : vector<128xf32>
    %reduce_sum3A_114 = vector.multi_reduction <add>, %add3A_112, %reduce_sum3A_113 [1] : vector<128x4096xf32> to vector<128xf32>
    %broadcast_in_dim3A_115 = vector.shape_cast %reduce_sum3A_114 : vector<128xf32> to vector<128x1xf32>
    %add3A_116 = arith.addf %add3A_97, %broadcast_in_dim3A_115 : vector<128x1xf32>
    %mul3A_117 = arith.mulf %add3A_112, %add3A_112 : vector<128x4096xf32>
    %reduce_sum3A_118 = arith.constant dense<0.000000e+00> : vector<128xf32>
    %reduce_sum3A_119 = vector.multi_reduction <add>, %mul3A_117, %reduce_sum3A_118 [1] : vector<128x4096xf32> to vector<128xf32>
    %broadcast_in_dim3A_120 = vector.shape_cast %reduce_sum3A_119 : vector<128xf32> to vector<128x1xf32>
    %add3A_121 = arith.addf %add3A_102, %broadcast_in_dim3A_120 : vector<128x1xf32>
    %get3A_122 = arith.constant 6 : index
    %get3A_123 = arith.constant 0 : index
    %get3A_124 = arith.constant 0 : index
    %get3A_125 = vector.load %arg0[%get3A_122, %get3A_123, %get3A_124] : memref<8x128x4096xf32, #tpu.memory_space<vmem>>, vector<1x128x4096xf32>
    %get3A_126 = vector.shape_cast %get3A_125 : vector<1x128x4096xf32> to vector<128x4096xf32>
    %dot_general3A_127 = arith.constant dense<0.000000e+00> : vector<128x4096xf32>
    %dot_general3A_128 = tpu.matmul %get3A_1, %get3A_126, %dot_general3A_127 {dimension_numbers = #tpu.dot_dimension_numbers<[1], [0], [0], [1], [0, 0, 1, 1], [], []>, transpose_lhs_hint = false} : vector<128x128xf32>, vector<128x4096xf32>, vector<128x4096xf32> -> vector<128x4096xf32>
    %broadcast_in_dim3A_129 = vector.shape_cast %get3A_3 : vector<128xf32> to vector<128x1xf32>
    %add3A_130 = vector.broadcast %broadcast_in_dim3A_129 : vector<128x1xf32> to vector<128x4096xf32>
    %add3A_131 = arith.addf %dot_general3A_128, %add3A_130 : vector<128x4096xf32>
    %reduce_sum3A_132 = arith.constant dense<0.000000e+00> : vector<128xf32>
    %reduce_sum3A_133 = vector.multi_reduction <add>, %add3A_131, %reduce_sum3A_132 [1] : vector<128x4096xf32> to vector<128xf32>
    %broadcast_in_dim3A_134 = vector.shape_cast %reduce_sum3A_133 : vector<128xf32> to vector<128x1xf32>
    %add3A_135 = arith.addf %add3A_116, %broadcast_in_dim3A_134 : vector<128x1xf32>
    %mul3A_136 = arith.mulf %add3A_131, %add3A_131 : vector<128x4096xf32>
    %reduce_sum3A_137 = arith.constant dense<0.000000e+00> : vector<128xf32>
    %reduce_sum3A_138 = vector.multi_reduction <add>, %mul3A_136, %reduce_sum3A_137 [1] : vector<128x4096xf32> to vector<128xf32>
    %broadcast_in_dim3A_139 = vector.shape_cast %reduce_sum3A_138 : vector<128xf32> to vector<128x1xf32>
    %add3A_140 = arith.addf %add3A_121, %broadcast_in_dim3A_139 : vector<128x1xf32>
    %get3A_141 = arith.constant 7 : index
    %get3A_142 = arith.constant 0 : index
    %get3A_143 = arith.constant 0 : index
    %get3A_144 = vector.load %arg0[%get3A_141, %get3A_142, %get3A_143] : memref<8x128x4096xf32, #tpu.memory_space<vmem>>, vector<1x128x4096xf32>
    %get3A_145 = vector.shape_cast %get3A_144 : vector<1x128x4096xf32> to vector<128x4096xf32>
    %dot_general3A_146 = arith.constant dense<0.000000e+00> : vector<128x4096xf32>
    %dot_general3A_147 = tpu.matmul %get3A_1, %get3A_145, %dot_general3A_146 {dimension_numbers = #tpu.dot_dimension_numbers<[1], [0], [0], [1], [0, 0, 1, 1], [], []>, transpose_lhs_hint = false} : vector<128x128xf32>, vector<128x4096xf32>, vector<128x4096xf32> -> vector<128x4096xf32>
    %broadcast_in_dim3A_148 = vector.shape_cast %get3A_3 : vector<128xf32> to vector<128x1xf32>
    %add3A_149 = vector.broadcast %broadcast_in_dim3A_148 : vector<128x1xf32> to vector<128x4096xf32>
    %add3A_150 = arith.addf %dot_general3A_147, %add3A_149 : vector<128x4096xf32>
    %reduce_sum3A_151 = arith.constant dense<0.000000e+00> : vector<128xf32>
    %reduce_sum3A_152 = vector.multi_reduction <add>, %add3A_150, %reduce_sum3A_151 [1] : vector<128x4096xf32> to vector<128xf32>
    %broadcast_in_dim3A_153 = vector.shape_cast %reduce_sum3A_152 : vector<128xf32> to vector<128x1xf32>
    %add3A_154 = arith.addf %add3A_135, %broadcast_in_dim3A_153 : vector<128x1xf32>
    %mul3A_155 = arith.mulf %add3A_150, %add3A_150 : vector<128x4096xf32>
    %reduce_sum3A_156 = arith.constant dense<0.000000e+00> : vector<128xf32>
    %reduce_sum3A_157 = vector.multi_reduction <add>, %mul3A_155, %reduce_sum3A_156 [1] : vector<128x4096xf32> to vector<128xf32>
    %broadcast_in_dim3A_158 = vector.shape_cast %reduce_sum3A_157 : vector<128xf32> to vector<128x1xf32>
    %add3A_159 = arith.addf %add3A_140, %broadcast_in_dim3A_158 : vector<128x1xf32>
    %div3A = arith.constant 3.276800e+04 : f32
    %div3A_160 = vector.broadcast %div3A : f32 to vector<128x1xf32>
    %div3A_161 = arith.divf %add3A_154, %div3A_160 : vector<128x1xf32>
    %div3A_162 = arith.constant 3.276800e+04 : f32
    %div3A_163 = vector.broadcast %div3A_162 : f32 to vector<128x1xf32>
    %div3A_164 = arith.divf %add3A_159, %div3A_163 : vector<128x1xf32>
    %mul3A_165 = arith.mulf %div3A_161, %div3A_161 : vector<128x1xf32>
    %sub3A = arith.subf %div3A_164, %mul3A_165 : vector<128x1xf32>
    %get3A_166 = arith.constant 0 : index
    %get3A_167 = vector.load %arg3[%get3A_166] : memref<128xf32, #tpu.memory_space<vmem>>, vector<128xf32>
    %broadcast_in_dim3A_168 = vector.shape_cast %get3A_167 : vector<128xf32> to vector<128x1xf32>
    %add3A_169 = arith.constant 9.99999974E-6 : f32
    %add3A_170 = vector.broadcast %add3A_169 : f32 to vector<128x1xf32>
    %add3A_171 = arith.addf %sub3A, %add3A_170 : vector<128x1xf32>
    %rsqrt3A = math.rsqrt %add3A_171 : vector<128x1xf32>
    %mul3A_172 = arith.mulf %broadcast_in_dim3A_168, %rsqrt3A : vector<128x1xf32>
    %get3A_173 = arith.constant 0 : index
    %get3A_174 = vector.load %arg4[%get3A_173] : memref<128xf32, #tpu.memory_space<vmem>>, vector<128xf32>
    %broadcast_in_dim3A_175 = vector.shape_cast %get3A_174 : vector<128xf32> to vector<128x1xf32>
    %mul3A_176 = arith.mulf %div3A_161, %mul3A_172 : vector<128x1xf32>
    %sub3A_177 = arith.subf %broadcast_in_dim3A_175, %mul3A_176 : vector<128x1xf32>
    %mul3A_178 = vector.broadcast %mul3A_172 : vector<128x1xf32> to vector<128x4096xf32>
    %mul3A_179 = arith.mulf %add3A_19, %mul3A_178 : vector<128x4096xf32>
    %add3A_180 = vector.broadcast %sub3A_177 : vector<128x1xf32> to vector<128x4096xf32>
    %add3A_181 = arith.addf %mul3A_179, %add3A_180 : vector<128x4096xf32>
    %max3A = arith.constant 0.000000e+00 : f32
    %max3A_182 = vector.broadcast %max3A : f32 to vector<128x4096xf32>
    %max3A_183 = arith.maximumf %add3A_181, %max3A_182 : vector<128x4096xf32>
    %dot_general3A_184 = arith.constant dense<0.000000e+00> : vector<16x4096xf32>
    %dot_general3A_185 = tpu.matmul %get3A_6, %max3A_183, %dot_general3A_184 {dimension_numbers = #tpu.dot_dimension_numbers<[1], [0], [0], [1], [0, 0, 1, 1], [], []>, transpose_lhs_hint = false} : vector<16x128xf32>, vector<128x4096xf32>, vector<16x4096xf32> -> vector<16x4096xf32>
    %broadcast_in_dim3A_186 = vector.shape_cast %get3A_8 : vector<16xf32> to vector<16x1xf32>
    %add3A_187 = vector.broadcast %broadcast_in_dim3A_186 : vector<16x1xf32> to vector<16x4096xf32>
    %add3A_188 = arith.addf %dot_general3A_185, %add3A_187 : vector<16x4096xf32>
    %slice3A = vector.extract_strided_slice %add3A_188 {offsets = [0, 0], sizes = [13, 4096], strides = [1, 1]} : vector<16x4096xf32> to vector<13x4096xf32>
    %reduce_max3A = arith.constant dense<0xFF800000> : vector<4096xf32>
    %reduce_max3A_189 = vector.multi_reduction <maximumf>, %slice3A, %reduce_max3A [0] : vector<13x4096xf32> to vector<4096xf32>
    %broadcast_in_dim3A_190 = vector.shape_cast %reduce_max3A_189 : vector<4096xf32> to vector<1x4096xf32>
    %sub3A_191 = vector.broadcast %broadcast_in_dim3A_190 : vector<1x4096xf32> to vector<13x4096xf32>
    %sub3A_192 = arith.subf %slice3A, %sub3A_191 : vector<13x4096xf32>
    %sub3A_193 = vector.broadcast %broadcast_in_dim3A_190 : vector<1x4096xf32> to vector<13x4096xf32>
    %sub3A_194 = arith.subf %slice3A, %sub3A_193 : vector<13x4096xf32>
    %exp3A = math.exp %sub3A_194 : vector<13x4096xf32>
    %reduce_sum3A_195 = arith.constant dense<0.000000e+00> : vector<4096xf32>
    %reduce_sum3A_196 = vector.multi_reduction <add>, %exp3A, %reduce_sum3A_195 [0] : vector<13x4096xf32> to vector<4096xf32>
    %broadcast_in_dim3A_197 = vector.shape_cast %reduce_sum3A_196 : vector<4096xf32> to vector<1x4096xf32>
    %log3A = math.log %broadcast_in_dim3A_197 : vector<1x4096xf32>
    %sub3A_198 = vector.broadcast %log3A : vector<1x4096xf32> to vector<13x4096xf32>
    %sub3A_199 = arith.subf %sub3A_192, %sub3A_198 : vector<13x4096xf32>
    %broadcast_in_dim3A_200 = arith.constant 0.000000e+00 : f32
    %broadcast_in_dim3A_201 = vector.broadcast %broadcast_in_dim3A_200 : f32 to vector<3x4096xf32>
    %concatenate3A = tpu.concatenate %sub3A_199, %broadcast_in_dim3A_201 in 0 : vector<13x4096xf32>, vector<3x4096xf32> -> vector<16x4096xf32>
    %swap3A = arith.constant 0 : index
    %swap3A_202 = arith.constant 0 : index
    %swap3A_203 = arith.constant 0 : index
    %swap3A_204 = vector.load %arg7[%swap3A, %swap3A_202, %swap3A_203] : memref<8x16x4096xf32, #tpu.memory_space<vmem>>, vector<1x16x4096xf32>
    %swap3A_205 = vector.shape_cast %swap3A_204 : vector<1x16x4096xf32> to vector<16x4096xf32>
    %swap3A_206 = vector.shape_cast %concatenate3A : vector<16x4096xf32> to vector<1x16x4096xf32>
    tpu.vector_store %arg7[%swap3A, %swap3A_202, %swap3A_203], %swap3A_206 {strides = array<i32>} : memref<8x16x4096xf32, #tpu.memory_space<vmem>>, vector<1x16x4096xf32>,
    %mul3A_207 = vector.broadcast %mul3A_172 : vector<128x1xf32> to vector<128x4096xf32>
    %mul3A_208 = arith.mulf %add3A_36, %mul3A_207 : vector<128x4096xf32>
    %add3A_209 = vector.broadcast %sub3A_177 : vector<128x1xf32> to vector<128x4096xf32>
    %add3A_210 = arith.addf %mul3A_208, %add3A_209 : vector<128x4096xf32>
    %max3A_211 = arith.constant 0.000000e+00 : f32
    %max3A_212 = vector.broadcast %max3A_211 : f32 to vector<128x4096xf32>
    %max3A_213 = arith.maximumf %add3A_210, %max3A_212 : vector<128x4096xf32>
    %dot_general3A_214 = arith.constant dense<0.000000e+00> : vector<16x4096xf32>
    %dot_general3A_215 = tpu.matmul %get3A_6, %max3A_213, %dot_general3A_214 {dimension_numbers = #tpu.dot_dimension_numbers<[1], [0], [0], [1], [0, 0, 1, 1], [], []>, transpose_lhs_hint = false} : vector<16x128xf32>, vector<128x4096xf32>, vector<16x4096xf32> -> vector<16x4096xf32>
    %broadcast_in_dim3A_216 = vector.shape_cast %get3A_8 : vector<16xf32> to vector<16x1xf32>
    %add3A_217 = vector.broadcast %broadcast_in_dim3A_216 : vector<16x1xf32> to vector<16x4096xf32>
    %add3A_218 = arith.addf %dot_general3A_215, %add3A_217 : vector<16x4096xf32>
    %slice3A_219 = vector.extract_strided_slice %add3A_218 {offsets = [0, 0], sizes = [13, 4096], strides = [1, 1]} : vector<16x4096xf32> to vector<13x4096xf32>
    %reduce_max3A_220 = arith.constant dense<0xFF800000> : vector<4096xf32>
    %reduce_max3A_221 = vector.multi_reduction <maximumf>, %slice3A_219, %reduce_max3A_220 [0] : vector<13x4096xf32> to vector<4096xf32>
    %broadcast_in_dim3A_222 = vector.shape_cast %reduce_max3A_221 : vector<4096xf32> to vector<1x4096xf32>
    %sub3A_223 = vector.broadcast %broadcast_in_dim3A_222 : vector<1x4096xf32> to vector<13x4096xf32>
    %sub3A_224 = arith.subf %slice3A_219, %sub3A_223 : vector<13x4096xf32>
    %sub3A_225 = vector.broadcast %broadcast_in_dim3A_222 : vector<1x4096xf32> to vector<13x4096xf32>
    %sub3A_226 = arith.subf %slice3A_219, %sub3A_225 : vector<13x4096xf32>
    %exp3A_227 = math.exp %sub3A_226 : vector<13x4096xf32>
    %reduce_sum3A_228 = arith.constant dense<0.000000e+00> : vector<4096xf32>
    %reduce_sum3A_229 = vector.multi_reduction <add>, %exp3A_227, %reduce_sum3A_228 [0] : vector<13x4096xf32> to vector<4096xf32>
    %broadcast_in_dim3A_230 = vector.shape_cast %reduce_sum3A_229 : vector<4096xf32> to vector<1x4096xf32>
    %log3A_231 = math.log %broadcast_in_dim3A_230 : vector<1x4096xf32>
    %sub3A_232 = vector.broadcast %log3A_231 : vector<1x4096xf32> to vector<13x4096xf32>
    %sub3A_233 = arith.subf %sub3A_224, %sub3A_232 : vector<13x4096xf32>
    %broadcast_in_dim3A_234 = arith.constant 0.000000e+00 : f32
    %broadcast_in_dim3A_235 = vector.broadcast %broadcast_in_dim3A_234 : f32 to vector<3x4096xf32>
    %concatenate3A_236 = tpu.concatenate %sub3A_233, %broadcast_in_dim3A_235 in 0 : vector<13x4096xf32>, vector<3x4096xf32> -> vector<16x4096xf32>
    %swap3A_237 = arith.constant 1 : index
    %swap3A_238 = arith.constant 0 : index
    %swap3A_239 = arith.constant 0 : index
    %swap3A_240 = vector.load %arg7[%swap3A_237, %swap3A_238, %swap3A_239] : memref<8x16x4096xf32, #tpu.memory_space<vmem>>, vector<1x16x4096xf32>
    %swap3A_241 = vector.shape_cast %swap3A_240 : vector<1x16x4096xf32> to vector<16x4096xf32>
    %swap3A_242 = vector.shape_cast %concatenate3A_236 : vector<16x4096xf32> to vector<1x16x4096xf32>
    tpu.vector_store %arg7[%swap3A_237, %swap3A_238, %swap3A_239], %swap3A_242 {strides = array<i32>} : memref<8x16x4096xf32, #tpu.memory_space<vmem>>, vector<1x16x4096xf32>,
    %mul3A_243 = vector.broadcast %mul3A_172 : vector<128x1xf32> to vector<128x4096xf32>
    %mul3A_244 = arith.mulf %add3A_55, %mul3A_243 : vector<128x4096xf32>
    %add3A_245 = vector.broadcast %sub3A_177 : vector<128x1xf32> to vector<128x4096xf32>
    %add3A_246 = arith.addf %mul3A_244, %add3A_245 : vector<128x4096xf32>
    %max3A_247 = arith.constant 0.000000e+00 : f32
    %max3A_248 = vector.broadcast %max3A_247 : f32 to vector<128x4096xf32>
    %max3A_249 = arith.maximumf %add3A_246, %max3A_248 : vector<128x4096xf32>
    %dot_general3A_250 = arith.constant dense<0.000000e+00> : vector<16x4096xf32>
    %dot_general3A_251 = tpu.matmul %get3A_6, %max3A_249, %dot_general3A_250 {dimension_numbers = #tpu.dot_dimension_numbers<[1], [0], [0], [1], [0, 0, 1, 1], [], []>, transpose_lhs_hint = false} : vector<16x128xf32>, vector<128x4096xf32>, vector<16x4096xf32> -> vector<16x4096xf32>
    %broadcast_in_dim3A_252 = vector.shape_cast %get3A_8 : vector<16xf32> to vector<16x1xf32>
    %add3A_253 = vector.broadcast %broadcast_in_dim3A_252 : vector<16x1xf32> to vector<16x4096xf32>
    %add3A_254 = arith.addf %dot_general3A_251, %add3A_253 : vector<16x4096xf32>
    %slice3A_255 = vector.extract_strided_slice %add3A_254 {offsets = [0, 0], sizes = [13, 4096], strides = [1, 1]} : vector<16x4096xf32> to vector<13x4096xf32>
    %reduce_max3A_256 = arith.constant dense<0xFF800000> : vector<4096xf32>
    %reduce_max3A_257 = vector.multi_reduction <maximumf>, %slice3A_255, %reduce_max3A_256 [0] : vector<13x4096xf32> to vector<4096xf32>
    %broadcast_in_dim3A_258 = vector.shape_cast %reduce_max3A_257 : vector<4096xf32> to vector<1x4096xf32>
    %sub3A_259 = vector.broadcast %broadcast_in_dim3A_258 : vector<1x4096xf32> to vector<13x4096xf32>
    %sub3A_260 = arith.subf %slice3A_255, %sub3A_259 : vector<13x4096xf32>
    %sub3A_261 = vector.broadcast %broadcast_in_dim3A_258 : vector<1x4096xf32> to vector<13x4096xf32>
    %sub3A_262 = arith.subf %slice3A_255, %sub3A_261 : vector<13x4096xf32>
    %exp3A_263 = math.exp %sub3A_262 : vector<13x4096xf32>
    %reduce_sum3A_264 = arith.constant dense<0.000000e+00> : vector<4096xf32>
    %reduce_sum3A_265 = vector.multi_reduction <add>, %exp3A_263, %reduce_sum3A_264 [0] : vector<13x4096xf32> to vector<4096xf32>
    %broadcast_in_dim3A_266 = vector.shape_cast %reduce_sum3A_265 : vector<4096xf32> to vector<1x4096xf32>
    %log3A_267 = math.log %broadcast_in_dim3A_266 : vector<1x4096xf32>
    %sub3A_268 = vector.broadcast %log3A_267 : vector<1x4096xf32> to vector<13x4096xf32>
    %sub3A_269 = arith.subf %sub3A_260, %sub3A_268 : vector<13x4096xf32>
    %broadcast_in_dim3A_270 = arith.constant 0.000000e+00 : f32
    %broadcast_in_dim3A_271 = vector.broadcast %broadcast_in_dim3A_270 : f32 to vector<3x4096xf32>
    %concatenate3A_272 = tpu.concatenate %sub3A_269, %broadcast_in_dim3A_271 in 0 : vector<13x4096xf32>, vector<3x4096xf32> -> vector<16x4096xf32>
    %swap3A_273 = arith.constant 2 : index
    %swap3A_274 = arith.constant 0 : index
    %swap3A_275 = arith.constant 0 : index
    %swap3A_276 = vector.load %arg7[%swap3A_273, %swap3A_274, %swap3A_275] : memref<8x16x4096xf32, #tpu.memory_space<vmem>>, vector<1x16x4096xf32>
    %swap3A_277 = vector.shape_cast %swap3A_276 : vector<1x16x4096xf32> to vector<16x4096xf32>
    %swap3A_278 = vector.shape_cast %concatenate3A_272 : vector<16x4096xf32> to vector<1x16x4096xf32>
    tpu.vector_store %arg7[%swap3A_273, %swap3A_274, %swap3A_275], %swap3A_278 {strides = array<i32>} : memref<8x16x4096xf32, #tpu.memory_space<vmem>>, vector<1x16x4096xf32>,
    %mul3A_279 = vector.broadcast %mul3A_172 : vector<128x1xf32> to vector<128x4096xf32>
    %mul3A_280 = arith.mulf %add3A_74, %mul3A_279 : vector<128x4096xf32>
    %add3A_281 = vector.broadcast %sub3A_177 : vector<128x1xf32> to vector<128x4096xf32>
    %add3A_282 = arith.addf %mul3A_280, %add3A_281 : vector<128x4096xf32>
    %max3A_283 = arith.constant 0.000000e+00 : f32
    %max3A_284 = vector.broadcast %max3A_283 : f32 to vector<128x4096xf32>
    %max3A_285 = arith.maximumf %add3A_282, %max3A_284 : vector<128x4096xf32>
    %dot_general3A_286 = arith.constant dense<0.000000e+00> : vector<16x4096xf32>
    %dot_general3A_287 = tpu.matmul %get3A_6, %max3A_285, %dot_general3A_286 {dimension_numbers = #tpu.dot_dimension_numbers<[1], [0], [0], [1], [0, 0, 1, 1], [], []>, transpose_lhs_hint = false} : vector<16x128xf32>, vector<128x4096xf32>, vector<16x4096xf32> -> vector<16x4096xf32>
    %broadcast_in_dim3A_288 = vector.shape_cast %get3A_8 : vector<16xf32> to vector<16x1xf32>
    %add3A_289 = vector.broadcast %broadcast_in_dim3A_288 : vector<16x1xf32> to vector<16x4096xf32>
    %add3A_290 = arith.addf %dot_general3A_287, %add3A_289 : vector<16x4096xf32>
    %slice3A_291 = vector.extract_strided_slice %add3A_290 {offsets = [0, 0], sizes = [13, 4096], strides = [1, 1]} : vector<16x4096xf32> to vector<13x4096xf32>
    %reduce_max3A_292 = arith.constant dense<0xFF800000> : vector<4096xf32>
    %reduce_max3A_293 = vector.multi_reduction <maximumf>, %slice3A_291, %reduce_max3A_292 [0] : vector<13x4096xf32> to vector<4096xf32>
    %broadcast_in_dim3A_294 = vector.shape_cast %reduce_max3A_293 : vector<4096xf32> to vector<1x4096xf32>
    %sub3A_295 = vector.broadcast %broadcast_in_dim3A_294 : vector<1x4096xf32> to vector<13x4096xf32>
    %sub3A_296 = arith.subf %slice3A_291, %sub3A_295 : vector<13x4096xf32>
    %sub3A_297 = vector.broadcast %broadcast_in_dim3A_294 : vector<1x4096xf32> to vector<13x4096xf32>
    %sub3A_298 = arith.subf %slice3A_291, %sub3A_297 : vector<13x4096xf32>
    %exp3A_299 = math.exp %sub3A_298 : vector<13x4096xf32>
    %reduce_sum3A_300 = arith.constant dense<0.000000e+00> : vector<4096xf32>
    %reduce_sum3A_301 = vector.multi_reduction <add>, %exp3A_299, %reduce_sum3A_300 [0] : vector<13x4096xf32> to vector<4096xf32>
    %broadcast_in_dim3A_302 = vector.shape_cast %reduce_sum3A_301 : vector<4096xf32> to vector<1x4096xf32>
    %log3A_303 = math.log %broadcast_in_dim3A_302 : vector<1x4096xf32>
    %sub3A_304 = vector.broadcast %log3A_303 : vector<1x4096xf32> to vector<13x4096xf32>
    %sub3A_305 = arith.subf %sub3A_296, %sub3A_304 : vector<13x4096xf32>
    %broadcast_in_dim3A_306 = arith.constant 0.000000e+00 : f32
    %broadcast_in_dim3A_307 = vector.broadcast %broadcast_in_dim3A_306 : f32 to vector<3x4096xf32>
    %concatenate3A_308 = tpu.concatenate %sub3A_305, %broadcast_in_dim3A_307 in 0 : vector<13x4096xf32>, vector<3x4096xf32> -> vector<16x4096xf32>
    %swap3A_309 = arith.constant 3 : index
    %swap3A_310 = arith.constant 0 : index
    %swap3A_311 = arith.constant 0 : index
    %swap3A_312 = vector.load %arg7[%swap3A_309, %swap3A_310, %swap3A_311] : memref<8x16x4096xf32, #tpu.memory_space<vmem>>, vector<1x16x4096xf32>
    %swap3A_313 = vector.shape_cast %swap3A_312 : vector<1x16x4096xf32> to vector<16x4096xf32>
    %swap3A_314 = vector.shape_cast %concatenate3A_308 : vector<16x4096xf32> to vector<1x16x4096xf32>
    tpu.vector_store %arg7[%swap3A_309, %swap3A_310, %swap3A_311], %swap3A_314 {strides = array<i32>} : memref<8x16x4096xf32, #tpu.memory_space<vmem>>, vector<1x16x4096xf32>,
    %mul3A_315 = vector.broadcast %mul3A_172 : vector<128x1xf32> to vector<128x4096xf32>
    %mul3A_316 = arith.mulf %add3A_93, %mul3A_315 : vector<128x4096xf32>
    %add3A_317 = vector.broadcast %sub3A_177 : vector<128x1xf32> to vector<128x4096xf32>
    %add3A_318 = arith.addf %mul3A_316, %add3A_317 : vector<128x4096xf32>
    %max3A_319 = arith.constant 0.000000e+00 : f32
    %max3A_320 = vector.broadcast %max3A_319 : f32 to vector<128x4096xf32>
    %max3A_321 = arith.maximumf %add3A_318, %max3A_320 : vector<128x4096xf32>
    %dot_general3A_322 = arith.constant dense<0.000000e+00> : vector<16x4096xf32>
    %dot_general3A_323 = tpu.matmul %get3A_6, %max3A_321, %dot_general3A_322 {dimension_numbers = #tpu.dot_dimension_numbers<[1], [0], [0], [1], [0, 0, 1, 1], [], []>, transpose_lhs_hint = false} : vector<16x128xf32>, vector<128x4096xf32>, vector<16x4096xf32> -> vector<16x4096xf32>
    %broadcast_in_dim3A_324 = vector.shape_cast %get3A_8 : vector<16xf32> to vector<16x1xf32>
    %add3A_325 = vector.broadcast %broadcast_in_dim3A_324 : vector<16x1xf32> to vector<16x4096xf32>
    %add3A_326 = arith.addf %dot_general3A_323, %add3A_325 : vector<16x4096xf32>
    %slice3A_327 = vector.extract_strided_slice %add3A_326 {offsets = [0, 0], sizes = [13, 4096], strides = [1, 1]} : vector<16x4096xf32> to vector<13x4096xf32>
    %reduce_max3A_328 = arith.constant dense<0xFF800000> : vector<4096xf32>
    %reduce_max3A_329 = vector.multi_reduction <maximumf>, %slice3A_327, %reduce_max3A_328 [0] : vector<13x4096xf32> to vector<4096xf32>
    %broadcast_in_dim3A_330 = vector.shape_cast %reduce_max3A_329 : vector<4096xf32> to vector<1x4096xf32>
    %sub3A_331 = vector.broadcast %broadcast_in_dim3A_330 : vector<1x4096xf32> to vector<13x4096xf32>
    %sub3A_332 = arith.subf %slice3A_327, %sub3A_331 : vector<13x4096xf32>
    %sub3A_333 = vector.broadcast %broadcast_in_dim3A_330 : vector<1x4096xf32> to vector<13x4096xf32>
    %sub3A_334 = arith.subf %slice3A_327, %sub3A_333 : vector<13x4096xf32>
    %exp3A_335 = math.exp %sub3A_334 : vector<13x4096xf32>
    %reduce_sum3A_336 = arith.constant dense<0.000000e+00> : vector<4096xf32>
    %reduce_sum3A_337 = vector.multi_reduction <add>, %exp3A_335, %reduce_sum3A_336 [0] : vector<13x4096xf32> to vector<4096xf32>
    %broadcast_in_dim3A_338 = vector.shape_cast %reduce_sum3A_337 : vector<4096xf32> to vector<1x4096xf32>
    %log3A_339 = math.log %broadcast_in_dim3A_338 : vector<1x4096xf32>
    %sub3A_340 = vector.broadcast %log3A_339 : vector<1x4096xf32> to vector<13x4096xf32>
    %sub3A_341 = arith.subf %sub3A_332, %sub3A_340 : vector<13x4096xf32>
    %broadcast_in_dim3A_342 = arith.constant 0.000000e+00 : f32
    %broadcast_in_dim3A_343 = vector.broadcast %broadcast_in_dim3A_342 : f32 to vector<3x4096xf32>
    %concatenate3A_344 = tpu.concatenate %sub3A_341, %broadcast_in_dim3A_343 in 0 : vector<13x4096xf32>, vector<3x4096xf32> -> vector<16x4096xf32>
    %swap3A_345 = arith.constant 4 : index
    %swap3A_346 = arith.constant 0 : index
    %swap3A_347 = arith.constant 0 : index
    %swap3A_348 = vector.load %arg7[%swap3A_345, %swap3A_346, %swap3A_347] : memref<8x16x4096xf32, #tpu.memory_space<vmem>>, vector<1x16x4096xf32>
    %swap3A_349 = vector.shape_cast %swap3A_348 : vector<1x16x4096xf32> to vector<16x4096xf32>
    %swap3A_350 = vector.shape_cast %concatenate3A_344 : vector<16x4096xf32> to vector<1x16x4096xf32>
    tpu.vector_store %arg7[%swap3A_345, %swap3A_346, %swap3A_347], %swap3A_350 {strides = array<i32>} : memref<8x16x4096xf32, #tpu.memory_space<vmem>>, vector<1x16x4096xf32>,
    %mul3A_351 = vector.broadcast %mul3A_172 : vector<128x1xf32> to vector<128x4096xf32>
    %mul3A_352 = arith.mulf %add3A_112, %mul3A_351 : vector<128x4096xf32>
    %add3A_353 = vector.broadcast %sub3A_177 : vector<128x1xf32> to vector<128x4096xf32>
    %add3A_354 = arith.addf %mul3A_352, %add3A_353 : vector<128x4096xf32>
    %max3A_355 = arith.constant 0.000000e+00 : f32
    %max3A_356 = vector.broadcast %max3A_355 : f32 to vector<128x4096xf32>
    %max3A_357 = arith.maximumf %add3A_354, %max3A_356 : vector<128x4096xf32>
    %dot_general3A_358 = arith.constant dense<0.000000e+00> : vector<16x4096xf32>
    %dot_general3A_359 = tpu.matmul %get3A_6, %max3A_357, %dot_general3A_358 {dimension_numbers = #tpu.dot_dimension_numbers<[1], [0], [0], [1], [0, 0, 1, 1], [], []>, transpose_lhs_hint = false} : vector<16x128xf32>, vector<128x4096xf32>, vector<16x4096xf32> -> vector<16x4096xf32>
    %broadcast_in_dim3A_360 = vector.shape_cast %get3A_8 : vector<16xf32> to vector<16x1xf32>
    %add3A_361 = vector.broadcast %broadcast_in_dim3A_360 : vector<16x1xf32> to vector<16x4096xf32>
    %add3A_362 = arith.addf %dot_general3A_359, %add3A_361 : vector<16x4096xf32>
    %slice3A_363 = vector.extract_strided_slice %add3A_362 {offsets = [0, 0], sizes = [13, 4096], strides = [1, 1]} : vector<16x4096xf32> to vector<13x4096xf32>
    %reduce_max3A_364 = arith.constant dense<0xFF800000> : vector<4096xf32>
    %reduce_max3A_365 = vector.multi_reduction <maximumf>, %slice3A_363, %reduce_max3A_364 [0] : vector<13x4096xf32> to vector<4096xf32>
    %broadcast_in_dim3A_366 = vector.shape_cast %reduce_max3A_365 : vector<4096xf32> to vector<1x4096xf32>
    %sub3A_367 = vector.broadcast %broadcast_in_dim3A_366 : vector<1x4096xf32> to vector<13x4096xf32>
    %sub3A_368 = arith.subf %slice3A_363, %sub3A_367 : vector<13x4096xf32>
    %sub3A_369 = vector.broadcast %broadcast_in_dim3A_366 : vector<1x4096xf32> to vector<13x4096xf32>
    %sub3A_370 = arith.subf %slice3A_363, %sub3A_369 : vector<13x4096xf32>
    %exp3A_371 = math.exp %sub3A_370 : vector<13x4096xf32>
    %reduce_sum3A_372 = arith.constant dense<0.000000e+00> : vector<4096xf32>
    %reduce_sum3A_373 = vector.multi_reduction <add>, %exp3A_371, %reduce_sum3A_372 [0] : vector<13x4096xf32> to vector<4096xf32>
    %broadcast_in_dim3A_374 = vector.shape_cast %reduce_sum3A_373 : vector<4096xf32> to vector<1x4096xf32>
    %log3A_375 = math.log %broadcast_in_dim3A_374 : vector<1x4096xf32>
    %sub3A_376 = vector.broadcast %log3A_375 : vector<1x4096xf32> to vector<13x4096xf32>
    %sub3A_377 = arith.subf %sub3A_368, %sub3A_376 : vector<13x4096xf32>
    %broadcast_in_dim3A_378 = arith.constant 0.000000e+00 : f32
    %broadcast_in_dim3A_379 = vector.broadcast %broadcast_in_dim3A_378 : f32 to vector<3x4096xf32>
    %concatenate3A_380 = tpu.concatenate %sub3A_377, %broadcast_in_dim3A_379 in 0 : vector<13x4096xf32>, vector<3x4096xf32> -> vector<16x4096xf32>
    %swap3A_381 = arith.constant 5 : index
    %swap3A_382 = arith.constant 0 : index
    %swap3A_383 = arith.constant 0 : index
    %swap3A_384 = vector.load %arg7[%swap3A_381, %swap3A_382, %swap3A_383] : memref<8x16x4096xf32, #tpu.memory_space<vmem>>, vector<1x16x4096xf32>
    %swap3A_385 = vector.shape_cast %swap3A_384 : vector<1x16x4096xf32> to vector<16x4096xf32>
    %swap3A_386 = vector.shape_cast %concatenate3A_380 : vector<16x4096xf32> to vector<1x16x4096xf32>
    tpu.vector_store %arg7[%swap3A_381, %swap3A_382, %swap3A_383], %swap3A_386 {strides = array<i32>} : memref<8x16x4096xf32, #tpu.memory_space<vmem>>, vector<1x16x4096xf32>,
    %mul3A_387 = vector.broadcast %mul3A_172 : vector<128x1xf32> to vector<128x4096xf32>
    %mul3A_388 = arith.mulf %add3A_131, %mul3A_387 : vector<128x4096xf32>
    %add3A_389 = vector.broadcast %sub3A_177 : vector<128x1xf32> to vector<128x4096xf32>
    %add3A_390 = arith.addf %mul3A_388, %add3A_389 : vector<128x4096xf32>
    %max3A_391 = arith.constant 0.000000e+00 : f32
    %max3A_392 = vector.broadcast %max3A_391 : f32 to vector<128x4096xf32>
    %max3A_393 = arith.maximumf %add3A_390, %max3A_392 : vector<128x4096xf32>
    %dot_general3A_394 = arith.constant dense<0.000000e+00> : vector<16x4096xf32>
    %dot_general3A_395 = tpu.matmul %get3A_6, %max3A_393, %dot_general3A_394 {dimension_numbers = #tpu.dot_dimension_numbers<[1], [0], [0], [1], [0, 0, 1, 1], [], []>, transpose_lhs_hint = false} : vector<16x128xf32>, vector<128x4096xf32>, vector<16x4096xf32> -> vector<16x4096xf32>
    %broadcast_in_dim3A_396 = vector.shape_cast %get3A_8 : vector<16xf32> to vector<16x1xf32>
    %add3A_397 = vector.broadcast %broadcast_in_dim3A_396 : vector<16x1xf32> to vector<16x4096xf32>
    %add3A_398 = arith.addf %dot_general3A_395, %add3A_397 : vector<16x4096xf32>
    %slice3A_399 = vector.extract_strided_slice %add3A_398 {offsets = [0, 0], sizes = [13, 4096], strides = [1, 1]} : vector<16x4096xf32> to vector<13x4096xf32>
    %reduce_max3A_400 = arith.constant dense<0xFF800000> : vector<4096xf32>
    %reduce_max3A_401 = vector.multi_reduction <maximumf>, %slice3A_399, %reduce_max3A_400 [0] : vector<13x4096xf32> to vector<4096xf32>
    %broadcast_in_dim3A_402 = vector.shape_cast %reduce_max3A_401 : vector<4096xf32> to vector<1x4096xf32>
    %sub3A_403 = vector.broadcast %broadcast_in_dim3A_402 : vector<1x4096xf32> to vector<13x4096xf32>
    %sub3A_404 = arith.subf %slice3A_399, %sub3A_403 : vector<13x4096xf32>
    %sub3A_405 = vector.broadcast %broadcast_in_dim3A_402 : vector<1x4096xf32> to vector<13x4096xf32>
    %sub3A_406 = arith.subf %slice3A_399, %sub3A_405 : vector<13x4096xf32>
    %exp3A_407 = math.exp %sub3A_406 : vector<13x4096xf32>
    %reduce_sum3A_408 = arith.constant dense<0.000000e+00> : vector<4096xf32>
    %reduce_sum3A_409 = vector.multi_reduction <add>, %exp3A_407, %reduce_sum3A_408 [0] : vector<13x4096xf32> to vector<4096xf32>
    %broadcast_in_dim3A_410 = vector.shape_cast %reduce_sum3A_409 : vector<4096xf32> to vector<1x4096xf32>
    %log3A_411 = math.log %broadcast_in_dim3A_410 : vector<1x4096xf32>
    %sub3A_412 = vector.broadcast %log3A_411 : vector<1x4096xf32> to vector<13x4096xf32>
    %sub3A_413 = arith.subf %sub3A_404, %sub3A_412 : vector<13x4096xf32>
    %broadcast_in_dim3A_414 = arith.constant 0.000000e+00 : f32
    %broadcast_in_dim3A_415 = vector.broadcast %broadcast_in_dim3A_414 : f32 to vector<3x4096xf32>
    %concatenate3A_416 = tpu.concatenate %sub3A_413, %broadcast_in_dim3A_415 in 0 : vector<13x4096xf32>, vector<3x4096xf32> -> vector<16x4096xf32>
    %swap3A_417 = arith.constant 6 : index
    %swap3A_418 = arith.constant 0 : index
    %swap3A_419 = arith.constant 0 : index
    %swap3A_420 = vector.load %arg7[%swap3A_417, %swap3A_418, %swap3A_419] : memref<8x16x4096xf32, #tpu.memory_space<vmem>>, vector<1x16x4096xf32>
    %swap3A_421 = vector.shape_cast %swap3A_420 : vector<1x16x4096xf32> to vector<16x4096xf32>
    %swap3A_422 = vector.shape_cast %concatenate3A_416 : vector<16x4096xf32> to vector<1x16x4096xf32>
    tpu.vector_store %arg7[%swap3A_417, %swap3A_418, %swap3A_419], %swap3A_422 {strides = array<i32>} : memref<8x16x4096xf32, #tpu.memory_space<vmem>>, vector<1x16x4096xf32>,
    %mul3A_423 = vector.broadcast %mul3A_172 : vector<128x1xf32> to vector<128x4096xf32>
    %mul3A_424 = arith.mulf %add3A_150, %mul3A_423 : vector<128x4096xf32>
    %add3A_425 = vector.broadcast %sub3A_177 : vector<128x1xf32> to vector<128x4096xf32>
    %add3A_426 = arith.addf %mul3A_424, %add3A_425 : vector<128x4096xf32>
    %max3A_427 = arith.constant 0.000000e+00 : f32
    %max3A_428 = vector.broadcast %max3A_427 : f32 to vector<128x4096xf32>
    %max3A_429 = arith.maximumf %add3A_426, %max3A_428 : vector<128x4096xf32>
    %dot_general3A_430 = arith.constant dense<0.000000e+00> : vector<16x4096xf32>
    %dot_general3A_431 = tpu.matmul %get3A_6, %max3A_429, %dot_general3A_430 {dimension_numbers = #tpu.dot_dimension_numbers<[1], [0], [0], [1], [0, 0, 1, 1], [], []>, transpose_lhs_hint = false} : vector<16x128xf32>, vector<128x4096xf32>, vector<16x4096xf32> -> vector<16x4096xf32>
    %broadcast_in_dim3A_432 = vector.shape_cast %get3A_8 : vector<16xf32> to vector<16x1xf32>
    %add3A_433 = vector.broadcast %broadcast_in_dim3A_432 : vector<16x1xf32> to vector<16x4096xf32>
    %add3A_434 = arith.addf %dot_general3A_431, %add3A_433 : vector<16x4096xf32>
    %slice3A_435 = vector.extract_strided_slice %add3A_434 {offsets = [0, 0], sizes = [13, 4096], strides = [1, 1]} : vector<16x4096xf32> to vector<13x4096xf32>
    %reduce_max3A_436 = arith.constant dense<0xFF800000> : vector<4096xf32>
    %reduce_max3A_437 = vector.multi_reduction <maximumf>, %slice3A_435, %reduce_max3A_436 [0] : vector<13x4096xf32> to vector<4096xf32>
    %broadcast_in_dim3A_438 = vector.shape_cast %reduce_max3A_437 : vector<4096xf32> to vector<1x4096xf32>
    %sub3A_439 = vector.broadcast %broadcast_in_dim3A_438 : vector<1x4096xf32> to vector<13x4096xf32>
    %sub3A_440 = arith.subf %slice3A_435, %sub3A_439 : vector<13x4096xf32>
    %sub3A_441 = vector.broadcast %broadcast_in_dim3A_438 : vector<1x4096xf32> to vector<13x4096xf32>
    %sub3A_442 = arith.subf %slice3A_435, %sub3A_441 : vector<13x4096xf32>
    %exp3A_443 = math.exp %sub3A_442 : vector<13x4096xf32>
    %reduce_sum3A_444 = arith.constant dense<0.000000e+00> : vector<4096xf32>
    %reduce_sum3A_445 = vector.multi_reduction <add>, %exp3A_443, %reduce_sum3A_444 [0] : vector<13x4096xf32> to vector<4096xf32>
    %broadcast_in_dim3A_446 = vector.shape_cast %reduce_sum3A_445 : vector<4096xf32> to vector<1x4096xf32>
    %log3A_447 = math.log %broadcast_in_dim3A_446 : vector<1x4096xf32>
    %sub3A_448 = vector.broadcast %log3A_447 : vector<1x4096xf32> to vector<13x4096xf32>
    %sub3A_449 = arith.subf %sub3A_440, %sub3A_448 : vector<13x4096xf32>
    %broadcast_in_dim3A_450 = arith.constant 0.000000e+00 : f32
    %broadcast_in_dim3A_451 = vector.broadcast %broadcast_in_dim3A_450 : f32 to vector<3x4096xf32>
    %concatenate3A_452 = tpu.concatenate %sub3A_449, %broadcast_in_dim3A_451 in 0 : vector<13x4096xf32>, vector<3x4096xf32> -> vector<16x4096xf32>
    %swap3A_453 = arith.constant 7 : index
    %swap3A_454 = arith.constant 0 : index
    %swap3A_455 = arith.constant 0 : index
    %swap3A_456 = vector.load %arg7[%swap3A_453, %swap3A_454, %swap3A_455] : memref<8x16x4096xf32, #tpu.memory_space<vmem>>, vector<1x16x4096xf32>
    %swap3A_457 = vector.shape_cast %swap3A_456 : vector<1x16x4096xf32> to vector<16x4096xf32>
    %swap3A_458 = vector.shape_cast %concatenate3A_452 : vector<16x4096xf32> to vector<1x16x4096xf32>
    tpu.vector_store %arg7[%swap3A_453, %swap3A_454, %swap3A_455], %swap3A_458 {strides = array<i32>} : memref<8x16x4096xf32, #tpu.memory_space<vmem>>, vector<1x16x4096xf32>,
    return
  }
}

</mosaic_0001>

<sc_bundles>
// kernel: gather_offload_async_start.1
scs
__scs_entry_jumppad:
0x0: {  	(pc) =	sbr.rel $0x88, $3  }
0x1: {  	(tag) =	ssettag $0x0;
	lr =	simm.s32 $0x1  }
0x2: {  	[smem:$0x3F16] =	sst lr;
	_ =	strace $0xD0000000  }
0x3: {  	_ = 	snop  }
0x4: {  	_ = 	snop  }
0x5: {  	_ = 	snop  }
0x6: {  	_ = 	snop  }
0x7: {  	_ = 	snop  }
__scs_overlays_trampoline_lowered:
0x8: {  	[smem:$0x3F25] =	sst s0  }
0x9: {  	[smem:$0x3F26] =	sst s1  }
0xa: {  	[smem:$0x3F27] =	sst s2  }
0xb: {  	[smem:$0x3F28] =	sst s3  }
0xc: {  	[smem:$0x3F29] =	sst s4  }
0xd: {  	[smem:$0x3F2A] =	sst s5  }
0xe: {  	[smem:$0x3F2B] =	sst s6  }
0xf: {  	[smem:$0x3F2C] =	sst s7  }
0x10: {  	[smem:$0x3F2D] =	sst s8  }
0x11: {  	[smem:$0x3F2E] =	sst s9;
	s0 =	simm.s32 @!p0 $0x0  }
0x12: {  	s1 =	sld [smem:$0x3F14];
	s0 =	simm.s32 @p0 $0x1  }
0x13: {  	[smem:$0x3F2F] =	sst s0;
	s0 =	simm.s32 @!p1 $0x0  }
0x14: {  	s2 =	sld [smem:$0x3F13];
	s0 =	simm.s32 @p1 $0x1  }
0x15: {  	[smem:$0x3F30] =	sst s0;
	s0 =	simm.s32 @!p2 $0x0  }
0x16: {  	s3 =	sld [smem:$0x3FDB];
	s0 =	simm.s32 @p2 $0x1  }
0x17: {  	s4 =	simm.s32 $0x1BF5;
	[smem:$0x3F32] =	sst s0  }
0x18: {  	s0 =	sld [smem:$0x3F15];
	_ =	swait.ge [sflag:s4], $0x0  }
0x19: {  	s7 =	sld [smem:$0x3F16]  }
0x1a: {  	s8 =	sadd.s32 $0xFFFFE003, lr  }
0x1b: {  	s9 =	sadd.s32 $0xFFFFFEF7, lr;
	s5 =	simm.s32 $0xFFFFFFFF;
	p2 =	slt.u32 s8, $0xFFFFF086  }
0x1c: {  	p1 =	slt.u32 s9, $0xF7A;
	s5 =	simm.s32 @!p2 $0x0  }
0x1d: {  	s5 =	simm.s32 @p1 $0x1;
	p0 =	seq.s32 s7, s2  }
0x1e: {  	s7 =	smul.u32 @!p0 $0xF7A, s2;
	p2 =	seq.s32 @!p0 s5, $0x0  }
0x1f: {  	s9 =	smul.u32 $0xF7A, s1;
	s8 =	simm.s32 @!p0 $0x1BF5;
	p2 =	por !p2, p0  }
0x20: {  	[sflag:s8] =	ssyncset.s32 @!p0 $0xFFFFF086;
	s6 =	sadd.s32 @!p0 s3, s7;
	s7 =	simm.s32 @!p0 $0x108  }
0x21: {  	s3 =	sadd.s32 s3, s9;
	s6 =	sadd.s32 @!p0 $0x88, s6;
	s7 =	simm.s32 @p2 $0x1082  }
0x22: {  	[simem:s7], [sflag:s8] =	dma.local @!p0 [hbm:s6], $0xF7A  }
0x23: {  	s9 =	sor.u32 $0xD0000000, s2;
	s6 =	simm.s32 $0x108;
	_ =	swait.ge @!p0 [sflag:s8], $0x0  }
0x24: {  	s3 =	sadd.s32 $0x88, s3;
	s6 =	simm.s32 @!p1 $0x1082;
	[sflag:s4] =	ssyncset.s32 $0xFFFFF086  }
0x25: {  	[simem:s6], [sflag:s4] =	dma.local [hbm:s3], $0xF7A  }
0x26: {  	[smem:$0x3F16] =	sst s1;
	(tag) =	ssettag s2;
	_ =	strace s9  }
0x27: {  	s1 =	sld [smem:$0x3F26]  }
0x28: {  	s2 =	sld [smem:$0x3F27]  }
0x29: {  	s4 =	sld [smem:$0x3F29]  }
0x2a: {  	p0 =	seq.s32 s5, $0x0;
	s5 =	sld [smem:$0x3F2A]  }
0x2b: {  	s6 =	sld [smem:$0x3F2B]  }
0x2c: {  	s7 =	sld [smem:$0x3F2C]  }
0x2d: {  	s3 =	simm.s32 $0x108;
	s8 =	sld [smem:$0x3F2D]  }
0x2e: {  	s3 =	simm.s32 @!p0 $0x1082;
	s9 =	sld [smem:$0x3F2E]  }
0x2f: {  	lr =	sadd.s32 s0, s3;
	s0 =	sld [smem:$0x3F25]  }
0x30: {  	s3 =	sld [smem:$0x3F28]  }
0x31: {  	[smem:$0x3F31] =	sst s10  }
0x32: {  	s10 =	sld [smem:$0x3F2F];
	_ =	sdelay $0x3  }
0x33: {  	p0 =	seq.s32 s10, $0x1;
	s10 =	sld [smem:$0x3F31];
	_ =	sdelay $0x3  }
0x34: {  	[smem:$0x3F31] =	sst s10  }
0x35: {  	s10 =	sld [smem:$0x3F30];
	_ =	sdelay $0x3  }
0x36: {  	p1 =	seq.s32 s10, $0x1;
	s10 =	sld [smem:$0x3F31];
	_ =	sdelay $0x3  }
0x37: {  	[smem:$0x3F31] =	sst s10  }
0x38: {  	s10 =	sld [smem:$0x3F32]  }
0x39: {  	_ = 	snop;
	(pc) =	sbr.ind lr, $3  }
0x3a: {  	_ = 	snop  }
0x3b: {  	_ = 	snop  }
0x3c: {  	p2 =	seq.s32 s10, $0x1;
	s10 =	sld [smem:$0x3F31]  }
0x3d: {  	_ =	shalt  }
0x3e: {  	_ =	shalt  }
0x3f: {  	_ =	shalt  }
0x40: {  	_ =	shalt  }
0x41: {  	_ =	shalt  }
0x42: {  	_ =	shalt  }
0x43: {  	_ =	shalt  }
0x44: {  	_ =	shalt  }
0x45: {  	_ =	shalt  }
0x46: {  	_ =	shalt  }
0x47: {  	_ =	shalt  }
0x48: {  	_ =	shalt  }
0x49: {  	_ =	shalt  }
0x4a: {  	_ =	shalt  }
0x4b: {  	_ =	shalt  }
0x4c: {  	_ =	shalt  }
0x4d: {  	_ =	shalt  }
0x4e: {  	_ =	shalt  }
0x4f: {  	_ =	shalt  }
0x50: {  	_ =	shalt  }
0x51: {  	_ =	shalt  }
0x52: {  	_ =	shalt  }
0x53: {  	_ =	shalt  }
0x54: {  	_ =	shalt  }
0x55: {  	_ =	shalt  }
0x56: {  	_ =	shalt  }
0x57: {  	_ =	shalt  }
0x58: {  	_ =	shalt  }
0x59: {  	_ =	shalt  }
0x5a: {  	_ =	shalt  }
0x5b: {  	_ =	shalt  }
0x5c: {  	_ =	shalt  }
0x5d: {  	_ =	shalt  }
0x5e: {  	_ =	shalt  }
0x5f: {  	_ =	shalt  }
0x60: {  	_ =	shalt  }
0x61: {  	_ =	shalt  }
0x62: {  	_ =	shalt  }
0x63: {  	_ =	shalt  }
0x64: {  	_ =	shalt  }
0x65: {  	_ =	shalt  }
0x66: {  	_ =	shalt  }
0x67: {  	_ =	shalt  }
0x68: {  	_ =	shalt  }
0x69: {  	_ =	shalt  }
0x6a: {  	_ =	shalt  }
0x6b: {  	_ =	shalt  }
0x6c: {  	_ =	shalt  }
0x6d: {  	_ =	shalt  }
0x6e: {  	_ =	shalt  }
0x6f: {  	_ =	shalt  }
0x70: {  	_ =	shalt  }
0x71: {  	_ =	shalt  }
0x72: {  	_ =	shalt  }
0x73: {  	_ =	shalt  }
0x74: {  	_ =	shalt  }
0x75: {  	_ =	shalt  }
0x76: {  	_ =	shalt  }
0x77: {  	_ =	shalt  }
0x78: {  	_ =	shalt  }
0x79: {  	_ =	shalt  }
0x7a: {  	_ =	shalt  }
0x7b: {  	_ =	shalt  }
0x7c: {  	_ =	shalt  }
0x7d: {  	_ =	shalt  }
0x7e: {  	_ =	shalt  }
0x7f: {  	_ =	shalt  }
0x80: {  	_ =	shalt  }
0x81: {  	_ =	shalt  }
0x82: {  	_ =	shalt  }
0x83: {  	_ =	shalt  }
0x84: {  	_ =	shalt  }
0x85: {  	_ =	shalt  }
0x86: {  	_ =	shalt  }
0x87: {  	_ =	shalt  }
.Lfunc_end0:
.L_simem_size_0:
called_computation.1_lowered:
.L_overlay_start_0:
0x88: {  	s2 =	sld [smem:$0x3FD9]  }
0x89: {  	s3 =	sld [smem:$0x3FFE];
	_ =	sdelay $0x1  }
0x8a: {  	s1 =	srdreg.scid  }
0x8b: {  	s0 =	sand.u32 $0x1, s1  }
0x8c: {  	s16 =	sshll.u32 s0, $0xA;
	s2 =	sadd.s32 s3, s2  }
0x8d: {  	s2 =	sadd.s32 s2, s16  }
0x8e: {  	[smem:$0x3F3D] =	sst s2  }
0x8f: {  	_ = 	snop  }
0x90: {  	(tm) =	ssettm $0x1  }
0x91: {  	s17 =	sld [smem:$0x3FFB];
	_ =	sdelay $0x3  }
0x92: {  	_ =	strace s17  }
0x93: {  	s2 =	sld [smem:$0x3FFC];
	_ =	sdelay $0x3  }
0x94: {  	_ =	strace s2  }
0x95: {  	s2 =	sld [smem:$0x3FFD];
	_ =	sdelay $0x3  }
0x96: {  	_ =	strace s2  }
0x97: {  	_ =	strace $0x8FFFFFFF  }
0x98: {  	s18 =	sld [smem:$0x3FDB];
	_ =	sdelay $0x1  }
0x99: {  	s19 =	simm.s32 $_scs_section_size  }
0x9a: {  	s4 =	simm.s32 $_size__tile_overlayer_lowered;
	s5 =	simm.s32 $_tile_overlayer_lowered  }
0x9b: {  	s22 =	simm.s32 $0x1BFF;
	s21 =	sshll.u32 s5, $0x1;
	s2 =	sadd.s32 s19, s18  }
0x9c: {  	s6 =	simm.s32 $0x0;
	s20 =	sshll.u32 s4, $0x1;
	s4 =	sadd.s32 s21, s2  }
0x9d: {  	[timem:s6], [sflag:s22] =	dma.local [hbm:s4], s20  }
0x9e: {  	_ =	swait.ge [sflag:s22], s20  }
0x9f: {  	s3 =	ssub.s32 $0x0, s20;
	[sflag:s22] =	ssyncset.done $0x0  }
0xa0: {  	[sflag:s22] =	ssyncadd.s32 s3;
	_ =	sdelay $0x1  }
0xa1: {  	s23 =	simm.s32 $0x1B8B  }
0xa2: {  	_ =	swait.ge [sflag:s23], $0x1  }
0xa3: {  	[sflag:s23] =	ssyncset.done $0x0  }
0xa4: {  	s25 =	simm.s32 $0x1B8E;
	s24 =	sld [smem:$0x3FFE];
	[sflag:s23] =	ssyncadd.s32 $0xFFFFFFFF  }
0xa5: {  	s26 =	simm.s32 $execute0_lowered;
	[smem:$0x3FD2] =	sst s25  }
0xa6: {  	s4 =	sshll.u32 s26, $0x1;
	_ =	strace $0x8000004C;
	[dreg:$0x1] =	wrdreg $0xFFFFFFFF  }
0xa7: {  	s28 =	simm.s32 $_size_execute0_lowered;
	s2 =	sadd.s32 s2, s4;
	[dreg:$0x0] =	wrdreg $0x0  }
0xa8: {  	s4 =	sshll.u32 s28, $0x1;
	[dreg:$0x2] =	wrdreg s2  }
0xa9: {  	[dreg:$0x3] =	wrdreg s4  }
0xaa: {  	[dreg:$0x4] =	wrdreg $0xC0  }
0xab: {  	_ =	task [dreg:s6], $0x5FFFF  }
0xac: {  	[dreg:$0x1] =	wrdreg $0xFFFFFFFF  }
0xad: {  	[dreg:$0x0] =	wrdreg $0x60  }
0xae: {  	[dreg:$0x2] =	wrdreg s24  }
0xaf: {  	[dreg:$0x3] =	wrdreg $0x9  }
0xb0: {  	_ =	task.clear_ibuf [dreg:s6], $0x4FFFF;
	_ =	strace $0x9000004C  }
0xb1: {  	s29 =	simm.s32 $0x9;
	_ =	strace $0x8000004E  }
0xb2: {  	_ =	swait.ge [sflag:s29], $0x1  }
0xb3: {  	[sflag:s29] =	ssyncadd.s32 $0xFFFFFFFF  }
0xb4: {  	_ =	strace $0x9000004E  }
0xb5: {  	_ =	sfence  }
0xb6: {  	s30 =	sld [smem:$0x0];
	_ =	sdelay $0x2  }
0xb7: {  	s31 =	sshll.u32 s1, $0xD;
	s1 =	sshrl.u32 s1, $0x2  }
0xb8: {  	s3 =	sand.u32 $0x4000, s31;
	s1 =	sadd.s32 s1, s30  }
0xb9: {  	s0 =	sor.u32 s3, s0;
	s1 =	sshll.u32 s1, $0x11  }
0xba: {  	s0 =	sor.u32 s1, s0  }
0xbb: {  	s0 =	sadd.s32 $0x8F2B, s0  }
0xbc: {  	[sflag:s0] =	ssyncadd.remote.s32 $0x1  }
0xbd: {  	_ =	sfence.sel $0xFFFF  }
0xbe: {  	[dreg:$0x0] =	wrdreg $0xFFFFFFFF;
	(pc) =	sbr.abs _section_cstart, $3  }
0xbf: {  	[dreg:$0x1] =	wrdreg $0xFFFFFFFF  }
0xc0: {  	_ =	task.clear_ibuf [dreg:s6], $0x2FFFF;
	_ =	strace $0x9FFFFFFF  }
0xc1: {  	(tm) =	ssettm $0x7FFFFFFF  }
tec
execute0_lowered:
.L_overlay_start_1:
0x0: {  	(tag) =	ssettag $0x1  }
0x1: {  	s7 =	rddreg [dreg:$0x0]  }
0x2: {  	s0 =	rddreg [dreg:$0x1];
	_ =	strace $0x8000004D  }
0x3: {  	s1 =	srdreg.scid;
	s4 =	simm.s32 $0x1;
	s9 =	simm.s32 $0x3  }
0x4: {  	s12 =	simm.s32 $0x0;
	s10 =	simm.s32 $0x0;
	s5 =	sshll.u32 s1, $0x4  }
.Ltmp0:
0x5: {  	s1 =	stileid.u32;
	s5 =	sand.u32 $0x10, s5;
	(pc) =	sbr.rel .LBB2_1-.Ltmp0, $4  }
0x6: {  	s2 =	sadd.s32 $0x80200, s7;
	s3 =	sadd.s32 $0xB1200, s7;
	s6 =	sor.u32 s1, s5  }
0x7: {  	[sflag:s4] =	ssyncpa.u1 $0x0;
	s5 =	simm.s32 $0x2;
	s6 =	sshll.u32 s6, $0x6  }
0x8: {  	s7 =	sadd.s32 $0xB4400, s7;
	[sflag:s5] =	ssyncpa.u1 $0x0;
	s8 =	sadd.s32 $0x40, s6  }
0x9: {  	vm0 =	vmmov $0xff;
	vm1 =	vcmask $0x3F20;
	[sflag:s9] =	ssyncpa.u1 $0x0;
	s9 =	simm.s32 $0x40;
	s11 =	smov.u32 s6  }
.LBB2_9:
0xa: {  	p0 =	seq.s32 s10, $0x2  }
.Ltmp1:
0xb: {  	_ = 	snop;
	(pc) =	sbr.rel @p0 .LBB2_11-.Ltmp1, $1  }
0xc: {  	_ =	sdelay $0x3  }
.LBB2_10:
0xd: {  	s12 =	sadd.s32 $0x40, s11  }
0xe: {  	s13 =	smov.u32 s6;
	p0 =	slt.s32 s12, s8  }
0xf: {  	s13 =	smov.u32 @p0 s12  }
0x10: {  	s10 =	sadd.s32 $0x1, s10;
	s12 =	smov.u32 s11;
	s11 =	smov.u32 s13  }
.LBB2_1:
0x11: {  	p0 =	sne.s32 s10, $0x0  }
.Ltmp2:
0x12: {  	_ = 	snop;
	(pc) =	sbr.rel @!p0 .LBB2_2-.Ltmp2, $1  }
0x13: {  	_ =	sdelay $0x3  }
0x14: {  	s13 =	sand.u32 $0x1, s10  }
0x15: {  	p0 =	seq.s32 s13, $0x0  }
.Ltmp3:
0x16: {  	_ = 	snop;
	(pc) =	sbr.rel @p0 .LBB2_9-.Ltmp3, $1  }
0x17: {  	_ =	sdelay $0x3  }
0x18: {  	_ =	swait.ge [sflag:s5], $0x40  }
0x19: {  	[sflag:s5] =	ssyncset.done $0x0  }
0x1a: {  	s13 =	simm.s32 $0x0;
	[sflag:s5] =	ssyncadd.s32 $0xFFFFFFC0  }
0x1b: {  	v0 =	vld.msk [tilespmem:s13+$0x40 ss:$0x1], $0xffff;
	_ =	sdelay $0x4  }
0x1c: {  	v1 =	vshll.u32 v0, $0x4  }
0x1d: {  	vm2 =	veq.s32 v0, $0x80000000;
	v0 =	vshll.u32 v0, $0x11;
	v1 =	vand.u32 $0x1FF80, v1  }
0x1e: {  	v0 =	vand.u32 $0xE0000, v0;
	v1 =	vsel vm2, $0xFFFFFF80, v1  }
0x1f: {  	v0 =	vsel vm2, $0xFFFE0000, v0;
	v2 =	vand.u32 $0xFFFFFC00, v1  }
0x20: {  	v1 =	vand.u32 $0x380, v1;
	v0 =	vadd.s32 v0, v2  }
0x21: {  	v0 =	vor.u32 v1, v0  }
0x22: {  	v0 =	vshrl.u32 v0, $0x3;
	_ =	sdelay $0x3  }
0x23: {  	s13 =	simm.s32 $0x2080  }
0x24: {  	[tilespmem:s13], [sflag:$0x1] =	stream.indirect_vreg.gather [hbm:s2], $0x80, v0, vm0, $0x38;
	[tilespmem:$0x4080] =	vst v63  }
0x25: {  	s14 =	simm.s32 $0x2480;
	s31 =	simm.s32 $0x10  }
0x26: {  	[tilespmem:s14], [sflag:$0x1] =	stream.indirect_vreg.gather [hbm:s2], $0x80, v0, vm1, $0x38;
	[tilespmem:$0x4080] =	vst v63  }
0x27: {  	s14 =	simm.s32 $0x80;
	v0 =	vld.msk [tilespmem:s31+$0x40 ss:$0x1], $0xffff  }
.LBB2_5:
0x28: {  	p0 =	sne.s32 s14, $0xC0;
	_ =	sdelay $0x4  }
0x29: {  	v1 =	vshll.u32 v0, $0x4  }
0x2a: {  	vm2 =	veq.s32 v0, $0x80000000;
	v0 =	vshll.u32 v0, $0x11;
	v1 =	vand.u32 $0x1FF80, v1  }
0x2b: {  	v0 =	vand.u32 $0xE0000, v0;
	v1 =	vsel vm2, $0xFFFFFF80, v1  }
0x2c: {  	v0 =	vsel vm2, $0xFFFE0000, v0;
	v2 =	vand.u32 $0xFFFFFC00, v1  }
0x2d: {  	v1 =	vand.u32 $0x380, v1;
	v0 =	vadd.s32 v0, v2  }
0x2e: {  	v0 =	vor.u32 v1, v0  }
0x2f: {  	v0 =	vshrl.u32 v0, $0x3;
	_ =	sdelay $0x3  }
.Ltmp4:
0x30: {  	s13 =	sadd.s32 $0x800, s13;
	(pc) =	sbr.rel @p0 .LBB2_5-.Ltmp4, $4  }
0x31: {  	[tilespmem:s13], [sflag:$0x1] =	stream.indirect_vreg.gather [hbm:s2], $0x80, v0, vm0, $0x38;
	[tilespmem:$0x4080] =	vst v63  }
0x32: {  	s15 =	sshra.s32 s14, $0x2;
	s16 =	sadd.s32 $0x400, s13  }
0x33: {  	[tilespmem:s16], [sflag:$0x1] =	stream.indirect_vreg.gather [hbm:s2], $0x80, v0, vm1, $0x38;
	[tilespmem:$0x4080] =	vst v63  }
0x34: {  	s14 =	sadd.s32 $0x40, s14;
	v0 =	vld.msk [tilespmem:s15+$0x40 ss:$0x1], $0xffff  }
0x35: {  	_ =	sdelay $0x3  }
0x36: {  	v1 =	vshll.u32 v0, $0x4  }
0x37: {  	vm2 =	veq.s32 v0, $0x80000000;
	v63 =	vshll.u32 v0, $0x11;
	v1 =	vand.u32 $0x1FF80, v1  }
0x38: {  	v0 =	vand.u32 $0xE0000, v63;
	v1 =	vsel vm2, $0xFFFFFF80, v1  }
0x39: {  	v0 =	vsel vm2, $0xFFFE0000, v0;
	v2 =	vand.u32 $0xFFFFFC00, v1  }
0x3a: {  	v1 =	vand.u32 $0x380, v1;
	v0 =	vadd.s32 v0, v2  }
0x3b: {  	v0 =	vor.u32 v1, v0  }
0x3c: {  	v0 =	vshrl.u32 v0, $0x3;
	_ =	sdelay $0x3  }
0x3d: {  	s13 =	sadd.s32 $0x800, s13  }
0x3e: {  	[tilespmem:s13], [sflag:$0x1] =	stream.indirect_vreg.gather [hbm:s2], $0x80, v0, vm0, $0x38;
	[tilespmem:$0x4080] =	vst v63  }
0x3f: {  	s13 =	sadd.s32 $0x400, s13  }
0x40: {  	[tilespmem:s13], [sflag:$0x1] =	stream.indirect_vreg.gather [hbm:s2], $0x80, v0, vm1, $0x38;
	[tilespmem:$0x4080] =	vst v63  }
0x41: {  	s12 =	sshll.u32 s12, $0x4;
	s14 =	simm.s32 $0x80;
	_ =	swait.ge [sflag:s4], $0x2000  }
0x42: {  	s15 =	simm.s32 $0x2480;
	s12 =	sadd.s32 s12, s7;
	[sflag:s4] =	ssyncset.done $0x0  }
0x43: {  	s16 =	sadd.s32 $0x0, s12;
	s13 =	simm.s32 $0x2080;
	[sflag:s4] =	ssyncadd.s32 $0xFFFFE000  }
.LBB2_7:
0x44: {  	[hbm:s16] =	stream.linear.scatter [tilespmem:s13], [sflag:$0x3], $0x400, $0x38;
	[tilespmem:$0x4080] =	vst v63  }
0x45: {  	s16 =	smov.u32 s14;
	s13 =	smov.u32 s15;
	p0 =	sne.s32 s14, $0x380  }
.Ltmp5:
0x46: {  	s14 =	sadd.s32 $0x80, s14;
	(pc) =	sbr.rel @p0 .LBB2_7-.Ltmp5, $2  }
0x47: {  	_ =	sdelay $0x2  }
0x48: {  	s15 =	sadd.s32 $0x400, s15;
	s16 =	sadd.s32 s16, s12  }
.Ltmp6:
0x49: {  	(pc) =	sbr.rel .LBB2_9-.Ltmp6, $2  }
0x4a: {  	_ =	sdelay $0x2  }
0x4b: {  	[hbm:s16] =	stream.linear.scatter [tilespmem:s13], [sflag:$0x3], $0x400, $0x38;
	[tilespmem:$0x4080] =	vst v63  }
.LBB2_2:
.Ltmp7:
0x4c: {  	(pc) =	sbr.rel .LBB2_10-.Ltmp7, $4  }
0x4d: {  	_ = 	snop  }
0x4e: {  	s12 =	sshrl.u32 s11, $0x3  }
0x4f: {  	s13 =	sand.u32 $0x7, s11;
	s12 =	sadd.s32 s3, s12  }
0x50: {  	[tilespmem:s9], [sflag:$0x2] =	stream.linear.gather [hbm4b:s12+s13], $0x40, $0x38;
	[tilespmem:$0x4080] =	vst v63  }
.LBB2_11:
0x51: {  	s2 =	simm.s32 $0x3  }
0x52: {  	_ =	swait.ge [sflag:s2], $0x2000  }
0x53: {  	[sflag:s2] =	ssyncset.done $0x0  }
0x54: {  	[sflag:s2] =	ssyncadd.s32 $0xFFFFE000  }
0x55: {  	_ =	sfence.sel $0x180000  }
0x56: {  	s3 =	simm.s32 $0x2;
	[bflag:$0x0] =	sbarrier.arrive $0xFFFF  }
0x57: {  	[sflag:s3] =	ssyncpa.u1 $0x1  }
0x58: {  	s31 =	simm.s32 $0x1;
	[sflag:s2] =	ssyncpa.u1 $0x1  }
0x59: {  	[sflag:s31] =	ssyncpa.u1 $0x1  }
0x5a: {  	p0 =	sne.s32 s1, $0x0;
	_ =	strace $0x9000004D  }
0x5b: {  	s0 =	sadd.s32 @!p0 $0x100000, s0;
	[bflag:$0x2] =	sbarrier.arrive $0xFFFF  }
0x5c: {  	[sflag:s0] =	ssyncadd.tile.s32 @!p0 $0x1;
	_ =	shalt  }
.Lfunc_end2:
_tile_overlayer_lowered:
.L_overlay_start_2:
0x5d: {  	(tag) =	ssettag $0x2  }
0x5e: {  	s0 =	rddreg [dreg:$0x0];
	s2 =	stileid.u32  }
0x5f: {  	s1 =	rddreg [dreg:$0x1];
	p0 =	sne.s32 s2, $0x0  }
0x60: {  	s3 =	rddreg [dreg:$0x2];
	[bflag:$0x3] =	sbarrier.arrive $0xFFFF;
	s2 =	simm.s32 @!p0 $0x1C01  }
0x61: {  	[timem:s3], [sflag:s2] =	dma.local @!p0 [hbm:s0], s1  }
0x62: {  	s0 =	simm.s32 @!p0 $0x1  }
0x63: {  	_ =	swait.ge @!p0 [sflag:s0], s1  }
0x64: {  	s1 =	ssub.s32 @!p0 $0x0, s1;
	[sflag:s0] =	ssyncset.done @!p0 $0x0  }
0x65: {  	[sflag:s0] =	ssyncadd.s32 @!p0 s1  }
0x66: {  	[bflag:$0x3] =	sbarrier.arrive $0xFFFF  }
0x67: {  	_ =	shalt  }

// kernel: gather_offload_async_start.2
scs
__scs_entry_jumppad:
0x0: {  	(pc) =	sbr.rel $0x88, $3  }
0x1: {  	(tag) =	ssettag $0x0;
	lr =	simm.s32 $0x1  }
0x2: {  	[smem:$0x3F16] =	sst lr;
	_ =	strace $0xD0000000  }
0x3: {  	_ = 	snop  }
0x4: {  	_ = 	snop  }
0x5: {  	_ = 	snop  }
0x6: {  	_ = 	snop  }
0x7: {  	_ = 	snop  }
__scs_overlays_trampoline_lowered:
0x8: {  	[smem:$0x3F25] =	sst s0  }
0x9: {  	[smem:$0x3F26] =	sst s1  }
0xa: {  	[smem:$0x3F27] =	sst s2  }
0xb: {  	[smem:$0x3F28] =	sst s3  }
0xc: {  	[smem:$0x3F29] =	sst s4  }
0xd: {  	[smem:$0x3F2A] =	sst s5  }
0xe: {  	[smem:$0x3F2B] =	sst s6  }
0xf: {  	[smem:$0x3F2C] =	sst s7  }
0x10: {  	[smem:$0x3F2D] =	sst s8  }
0x11: {  	[smem:$0x3F2E] =	sst s9;
	s0 =	simm.s32 @!p0 $0x0  }
0x12: {  	s1 =	sld [smem:$0x3F14];
	s0 =	simm.s32 @p0 $0x1  }
0x13: {  	[smem:$0x3F2F] =	sst s0;
	s0 =	simm.s32 @!p1 $0x0  }
0x14: {  	s2 =	sld [smem:$0x3F13];
	s0 =	simm.s32 @p1 $0x1  }
0x15: {  	[smem:$0x3F30] =	sst s0;
	s0 =	simm.s32 @!p2 $0x0  }
0x16: {  	s3 =	sld [smem:$0x3FDB];
	s0 =	simm.s32 @p2 $0x1  }
0x17: {  	s4 =	simm.s32 $0x1BF5;
	[smem:$0x3F32] =	sst s0  }
0x18: {  	s0 =	sld [smem:$0x3F15];
	_ =	swait.ge [sflag:s4], $0x0  }
0x19: {  	s7 =	sld [smem:$0x3F16]  }
0x1a: {  	s8 =	sadd.s32 $0xFFFFE003, lr  }
0x1b: {  	s9 =	sadd.s32 $0xFFFFFEF7, lr;
	s5 =	simm.s32 $0xFFFFFFFF;
	p2 =	slt.u32 s8, $0xFFFFF086  }
0x1c: {  	p1 =	slt.u32 s9, $0xF7A;
	s5 =	simm.s32 @!p2 $0x0  }
0x1d: {  	s5 =	simm.s32 @p1 $0x1;
	p0 =	seq.s32 s7, s2  }
0x1e: {  	s7 =	smul.u32 @!p0 $0xF7A, s2;
	p2 =	seq.s32 @!p0 s5, $0x0  }
0x1f: {  	s9 =	smul.u32 $0xF7A, s1;
	s8 =	simm.s32 @!p0 $0x1BF5;
	p2 =	por !p2, p0  }
0x20: {  	[sflag:s8] =	ssyncset.s32 @!p0 $0xFFFFF086;
	s6 =	sadd.s32 @!p0 s3, s7;
	s7 =	simm.s32 @!p0 $0x108  }
0x21: {  	s3 =	sadd.s32 s3, s9;
	s6 =	sadd.s32 @!p0 $0x88, s6;
	s7 =	simm.s32 @p2 $0x1082  }
0x22: {  	[simem:s7], [sflag:s8] =	dma.local @!p0 [hbm:s6], $0xF7A  }
0x23: {  	s9 =	sor.u32 $0xD0000000, s2;
	s6 =	simm.s32 $0x108;
	_ =	swait.ge @!p0 [sflag:s8], $0x0  }
0x24: {  	s3 =	sadd.s32 $0x88, s3;
	s6 =	simm.s32 @!p1 $0x1082;
	[sflag:s4] =	ssyncset.s32 $0xFFFFF086  }
0x25: {  	[simem:s6], [sflag:s4] =	dma.local [hbm:s3], $0xF7A  }
0x26: {  	[smem:$0x3F16] =	sst s1;
	(tag) =	ssettag s2;
	_ =	strace s9  }
0x27: {  	s1 =	sld [smem:$0x3F26]  }
0x28: {  	s2 =	sld [smem:$0x3F27]  }
0x29: {  	s4 =	sld [smem:$0x3F29]  }
0x2a: {  	p0 =	seq.s32 s5, $0x0;
	s5 =	sld [smem:$0x3F2A]  }
0x2b: {  	s6 =	sld [smem:$0x3F2B]  }
0x2c: {  	s7 =	sld [smem:$0x3F2C]  }
0x2d: {  	s3 =	simm.s32 $0x108;
	s8 =	sld [smem:$0x3F2D]  }
0x2e: {  	s3 =	simm.s32 @!p0 $0x1082;
	s9 =	sld [smem:$0x3F2E]  }
0x2f: {  	lr =	sadd.s32 s0, s3;
	s0 =	sld [smem:$0x3F25]  }
0x30: {  	s3 =	sld [smem:$0x3F28]  }
0x31: {  	[smem:$0x3F31] =	sst s10  }
0x32: {  	s10 =	sld [smem:$0x3F2F];
	_ =	sdelay $0x3  }
0x33: {  	p0 =	seq.s32 s10, $0x1;
	s10 =	sld [smem:$0x3F31];
	_ =	sdelay $0x3  }
0x34: {  	[smem:$0x3F31] =	sst s10  }
0x35: {  	s10 =	sld [smem:$0x3F30];
	_ =	sdelay $0x3  }
0x36: {  	p1 =	seq.s32 s10, $0x1;
	s10 =	sld [smem:$0x3F31];
	_ =	sdelay $0x3  }
0x37: {  	[smem:$0x3F31] =	sst s10  }
0x38: {  	s10 =	sld [smem:$0x3F32]  }
0x39: {  	_ = 	snop;
	(pc) =	sbr.ind lr, $3  }
0x3a: {  	_ = 	snop  }
0x3b: {  	_ = 	snop  }
0x3c: {  	p2 =	seq.s32 s10, $0x1;
	s10 =	sld [smem:$0x3F31]  }
0x3d: {  	_ =	shalt  }
0x3e: {  	_ =	shalt  }
0x3f: {  	_ =	shalt  }
0x40: {  	_ =	shalt  }
0x41: {  	_ =	shalt  }
0x42: {  	_ =	shalt  }
0x43: {  	_ =	shalt  }
0x44: {  	_ =	shalt  }
0x45: {  	_ =	shalt  }
0x46: {  	_ =	shalt  }
0x47: {  	_ =	shalt  }
0x48: {  	_ =	shalt  }
0x49: {  	_ =	shalt  }
0x4a: {  	_ =	shalt  }
0x4b: {  	_ =	shalt  }
0x4c: {  	_ =	shalt  }
0x4d: {  	_ =	shalt  }
0x4e: {  	_ =	shalt  }
0x4f: {  	_ =	shalt  }
0x50: {  	_ =	shalt  }
0x51: {  	_ =	shalt  }
0x52: {  	_ =	shalt  }
0x53: {  	_ =	shalt  }
0x54: {  	_ =	shalt  }
0x55: {  	_ =	shalt  }
0x56: {  	_ =	shalt  }
0x57: {  	_ =	shalt  }
0x58: {  	_ =	shalt  }
0x59: {  	_ =	shalt  }
0x5a: {  	_ =	shalt  }
0x5b: {  	_ =	shalt  }
0x5c: {  	_ =	shalt  }
0x5d: {  	_ =	shalt  }
0x5e: {  	_ =	shalt  }
0x5f: {  	_ =	shalt  }
0x60: {  	_ =	shalt  }
0x61: {  	_ =	shalt  }
0x62: {  	_ =	shalt  }
0x63: {  	_ =	shalt  }
0x64: {  	_ =	shalt  }
0x65: {  	_ =	shalt  }
0x66: {  	_ =	shalt  }
0x67: {  	_ =	shalt  }
0x68: {  	_ =	shalt  }
0x69: {  	_ =	shalt  }
0x6a: {  	_ =	shalt  }
0x6b: {  	_ =	shalt  }
0x6c: {  	_ =	shalt  }
0x6d: {  	_ =	shalt  }
0x6e: {  	_ =	shalt  }
0x6f: {  	_ =	shalt  }
0x70: {  	_ =	shalt  }
0x71: {  	_ =	shalt  }
0x72: {  	_ =	shalt  }
0x73: {  	_ =	shalt  }
0x74: {  	_ =	shalt  }
0x75: {  	_ =	shalt  }
0x76: {  	_ =	shalt  }
0x77: {  	_ =	shalt  }
0x78: {  	_ =	shalt  }
0x79: {  	_ =	shalt  }
0x7a: {  	_ =	shalt  }
0x7b: {  	_ =	shalt  }
0x7c: {  	_ =	shalt  }
0x7d: {  	_ =	shalt  }
0x7e: {  	_ =	shalt  }
0x7f: {  	_ =	shalt  }
0x80: {  	_ =	shalt  }
0x81: {  	_ =	shalt  }
0x82: {  	_ =	shalt  }
0x83: {  	_ =	shalt  }
0x84: {  	_ =	shalt  }
0x85: {  	_ =	shalt  }
0x86: {  	_ =	shalt  }
0x87: {  	_ =	shalt  }
.Lfunc_end0:
.L_simem_size_0:
called_computation.2_lowered:
.L_overlay_start_0:
0x88: {  	s2 =	sld [smem:$0x3FD9]  }
0x89: {  	s3 =	sld [smem:$0x3FFE];
	_ =	sdelay $0x1  }
0x8a: {  	s1 =	srdreg.scid  }
0x8b: {  	s0 =	sand.u32 $0x1, s1  }
0x8c: {  	s16 =	sshll.u32 s0, $0xA;
	s2 =	sadd.s32 s3, s2  }
0x8d: {  	s2 =	sadd.s32 s2, s16  }
0x8e: {  	[smem:$0x3F3D] =	sst s2  }
0x8f: {  	_ = 	snop  }
0x90: {  	(tm) =	ssettm $0x1  }
0x91: {  	s17 =	sld [smem:$0x3FFB];
	_ =	sdelay $0x3  }
0x92: {  	_ =	strace s17  }
0x93: {  	s2 =	sld [smem:$0x3FFC];
	_ =	sdelay $0x3  }
0x94: {  	_ =	strace s2  }
0x95: {  	s2 =	sld [smem:$0x3FFD];
	_ =	sdelay $0x3  }
0x96: {  	_ =	strace s2  }
0x97: {  	_ =	strace $0x8FFFFFFF  }
0x98: {  	s18 =	sld [smem:$0x3FDB];
	_ =	sdelay $0x1  }
0x99: {  	s19 =	simm.s32 $_scs_section_size  }
0x9a: {  	s4 =	simm.s32 $_size__tile_overlayer_lowered;
	s5 =	simm.s32 $_tile_overlayer_lowered  }
0x9b: {  	s22 =	simm.s32 $0x1BFF;
	s21 =	sshll.u32 s5, $0x1;
	s2 =	sadd.s32 s19, s18  }
0x9c: {  	s6 =	simm.s32 $0x0;
	s20 =	sshll.u32 s4, $0x1;
	s4 =	sadd.s32 s21, s2  }
0x9d: {  	[timem:s6], [sflag:s22] =	dma.local [hbm:s4], s20  }
0x9e: {  	_ =	swait.ge [sflag:s22], s20  }
0x9f: {  	s3 =	ssub.s32 $0x0, s20;
	[sflag:s22] =	ssyncset.done $0x0  }
0xa0: {  	[sflag:s22] =	ssyncadd.s32 s3;
	_ =	sdelay $0x1  }
0xa1: {  	s23 =	simm.s32 $0x1B8B  }
0xa2: {  	_ =	swait.ge [sflag:s23], $0x1  }
0xa3: {  	[sflag:s23] =	ssyncset.done $0x0  }
0xa4: {  	s25 =	simm.s32 $0x1B8E;
	s24 =	sld [smem:$0x3FFE];
	[sflag:s23] =	ssyncadd.s32 $0xFFFFFFFF  }
0xa5: {  	s26 =	simm.s32 $execute0_lowered;
	[smem:$0x3FD2] =	sst s25  }
0xa6: {  	s4 =	sshll.u32 s26, $0x1;
	_ =	strace $0x8000004F;
	[dreg:$0x1] =	wrdreg $0xFFFFFFFF  }
0xa7: {  	s28 =	simm.s32 $_size_execute0_lowered;
	s2 =	sadd.s32 s2, s4;
	[dreg:$0x0] =	wrdreg $0x0  }
0xa8: {  	s4 =	sshll.u32 s28, $0x1;
	[dreg:$0x2] =	wrdreg s2  }
0xa9: {  	[dreg:$0x3] =	wrdreg s4  }
0xaa: {  	[dreg:$0x4] =	wrdreg $0xC0  }
0xab: {  	_ =	task [dreg:s6], $0x5FFFF  }
0xac: {  	[dreg:$0x1] =	wrdreg $0xFFFFFFFF  }
0xad: {  	[dreg:$0x0] =	wrdreg $0x60  }
0xae: {  	[dreg:$0x2] =	wrdreg s24  }
0xaf: {  	[dreg:$0x3] =	wrdreg $0x9  }
0xb0: {  	_ =	task.clear_ibuf [dreg:s6], $0x4FFFF;
	_ =	strace $0x9000004F  }
0xb1: {  	s29 =	simm.s32 $0x9;
	_ =	strace $0x80000051  }
0xb2: {  	_ =	swait.ge [sflag:s29], $0x1  }
0xb3: {  	[sflag:s29] =	ssyncadd.s32 $0xFFFFFFFF  }
0xb4: {  	_ =	strace $0x90000051  }
0xb5: {  	_ =	sfence  }
0xb6: {  	s30 =	sld [smem:$0x0];
	_ =	sdelay $0x2  }
0xb7: {  	s31 =	sshll.u32 s1, $0xD;
	s1 =	sshrl.u32 s1, $0x2  }
0xb8: {  	s3 =	sand.u32 $0x4000, s31;
	s1 =	sadd.s32 s1, s30  }
0xb9: {  	s0 =	sor.u32 s3, s0;
	s1 =	sshll.u32 s1, $0x11  }
0xba: {  	s0 =	sor.u32 s1, s0  }
0xbb: {  	s0 =	sadd.s32 $0x8F2B, s0  }
0xbc: {  	[sflag:s0] =	ssyncadd.remote.s32 $0x1  }
0xbd: {  	_ =	sfence.sel $0xFFFF  }
0xbe: {  	[dreg:$0x0] =	wrdreg $0xFFFFFFFF;
	(pc) =	sbr.abs _section_cstart, $3  }
0xbf: {  	[dreg:$0x1] =	wrdreg $0xFFFFFFFF  }
0xc0: {  	_ =	task.clear_ibuf [dreg:s6], $0x2FFFF;
	_ =	strace $0x9FFFFFFF  }
0xc1: {  	(tm) =	ssettm $0x7FFFFFFF  }
tec
execute0_lowered:
.L_overlay_start_1:
0x0: {  	(tag) =	ssettag $0x1  }
0x1: {  	s1 =	srdreg.scid  }
0x2: {  	s0 =	stileid.u32;
	s8 =	rddreg [dreg:$0x0];
	s5 =	simm.s32 $0x1  }
0x3: {  	s9 =	simm.s32 $0x1;
	s10 =	simm.s32 $0x3;
	s1 =	sshll.u32 s1, $0x5  }
0x4: {  	s13 =	simm.s32 $0x0;
	s2 =	sshll.u32 s0, $0x6;
	s3 =	sand.u32 $0x20, s1  }
0x5: {  	s12 =	simm.s32 $0x0;
	s4 =	sadd.s32 $0xB0C00, s8;
	s2 =	sor.u32 s2, s3  }
0x6: {  	s1 =	rddreg [dreg:$0x1];
	_ =	strace $0x80000050;
	s7 =	ssub.s32 $0x600, s2  }
.Ltmp0:
0x7: {  	s3 =	sadd.s32 $0xAC400, s8;
	s6 =	sand.u32 $0x3E0, s7;
	(pc) =	sbr.rel .LBB2_1-.Ltmp0, $4  }
0x8: {  	[sflag:s5] =	ssyncpa.u1 $0x0;
	s8 =	sadd.s32 $0xB1200, s8;
	p0 =	sne.s32 s6, $0x0  }
0x9: {  	s7 =	sshrl.u32 s7, $0xA;
	s6 =	simm.s32 $0x2;
	s9 =	simm.s32 @!p0 $0x0  }
0xa: {  	s11 =	smov.u32 s2;
	[sflag:s6] =	ssyncpa.u1 $0x0;
	s7 =	sadd.s32 s9, s7  }
0xb: {  	vm0 =	vmmov $0xffff;
	[sflag:s10] =	ssyncpa.u1 $0x0;
	s10 =	simm.s32 $0x0;
	s9 =	sadd.s32 $0x1, s7  }
.LBB2_5:
0xc: {  	s15 =	sadd.s32 $0x400, s11  }
0xd: {  	p1 =	sgt.s32 s15, $0x5FF  }
0xe: {  	s15 =	smov.u32 @p1 s2;
	p1 =	sne.s32 s12, s9  }
.Ltmp1:
0xf: {  	p0 =	slt.u32 s12, $0x2;
	(pc) =	sbr.rel @!p1 .LBB2_6-.Ltmp1, $4  }
0x10: {  	s14 =	simm.s32 @!p0 $0x3  }
0x11: {  	_ =	swait.ge @!p0 [sflag:s14], $0x20  }
0x12: {  	s16 =	sadd.s32 $0x1, s12;
	s13 =	smov.u32 s11;
	[sflag:s14] =	ssyncset.done @!p0 $0x0  }
0x13: {  	s12 =	smov.u32 s16;
	s11 =	smov.u32 s15;
	[sflag:s14] =	ssyncadd.s32 @!p0 $0xFFFFFFE0  }
.LBB2_1:
0x14: {  	p0 =	sge.u32 s12, s7  }
0x15: {  	s14 =	sxor.u32 @!p0 $0xFFFFFFFF, s12  }
0x16: {  	s31 =	sadd.s32 $0xFFFFFFFF, s12;
	s15 =	sshrl.u32 @!p0 s11, $0x3;
	s14 =	sshll.u32 @!p0 s14, $0x5  }
0x17: {  	s16 =	sand.u32 @!p0 $0x7, s11;
	s15 =	sadd.s32 @!p0 s4, s15;
	s14 =	sand.u32 @!p0 $0x20, s14  }
0x18: {  	[tilespmem:s14], [sflag:$0x2] =	stream.linear.gather @!p0 [hbm4b:s15+s16], $0x20, $0x38;
	[tilespmem:$0x80] =	vst v63  }
0x19: {  	p0 =	sge.u32 s31, s7  }
.Ltmp2:
0x1a: {  	_ = 	snop;
	(pc) =	sbr.rel @p0 .LBB2_5-.Ltmp2, $1  }
0x1b: {  	_ =	sdelay $0x3  }
0x1c: {  	_ =	swait.ge [sflag:s6], $0x20;
	s14 =	sshll.u32 s12, $0x5;
	s16 =	simm.s32 $0x0  }
0x1d: {  	p0 =	por $0x1, $0x1;
	[sflag:s6] =	ssyncset.done $0x0;
	s15 =	sand.u32 $0x20, s14  }
0x1e: {  	[sflag:s6] =	ssyncadd.s32 $0xFFFFFFE0;
	(ifvalue) =	ssetifvalue $0x7FFFFFFF;
	s14 =	sor.u32 $0x40, s15  }
.LBB2_3:
0x1f: {  	s17 =	sadd.s32 s16, s15  }
0x20: {  	v0 =	vld.msk [tilespmem:s17+$0x0 ss:$0x1], $0xffff;
	_ =	sdelay $0x4  }
0x21: {  	vm1 =	veq.s32 v0, $0x80000000;
	v1 =	vshrl.u32 v0, $0x2  }
0x22: {  	v2 =	vshrl.u32 v0, $0x3;
	v0 =	vshll.u32 v0, $0xB;
	v1 =	vand.u32 $0x780, v1  }
0x23: {  	v2 =	vand.u32 $0x3F, v2;
	v0 =	vand.u32 $0x3800, v0;
	v1 =	vsel vm1, $0xFFFFFF80, v1  }
0x24: {  	v2 =	vsel vm1, $0xFFFFFFFF, v2;
	v0 =	vsel vm1, $0xFFFFF800, v0;
	v3 =	vand.u32 $0xFFFFFC00, v1  }
0x25: {  	v63 =	vand.u32 $0xFFFFFC00, v2;
	v0 =	vadd.s32 v0, v3  }
0x26: {  	v1 =	vand.u32 $0x380, v1;
	v0 =	vadd.s32 v63, v0  }
0x27: {  	v2 =	vand.u32 $0x7F, v2;
	v0 =	vor.u32 v1, v0  }
0x28: {  	p1 =	por p0, p0;
	v0 =	vor.u32 v2, v0  }
.Ltmp3:
0x29: {  	_ = 	snop;
	(pc) =	sbr.rel @p1 .LBB2_3-.Ltmp3, $4  }
0x2a: {  	_ = 	snop  }
0x2b: {  	s31 =	sadd.s32 s16, s14  }
0x2c: {  	s16 =	simm.s32 $0x10;
	p0 =	por $0x0, $0x0;
	(ifvalue) =	ssetifvalue $0x7FFFFFFF  }
0x2d: {  	[tilespmem:s31], [sflag:$0x1] =	stream.indirect_vreg.gather [hbm4b:s3+s10], $0x1, v0, vm0, $0x4038;
	[tilespmem:$0x80] =	vst v63  }
.Ltmp4:
0x2e: {  	(pc) =	sbr.rel .LBB2_5-.Ltmp4, $4  }
0x2f: {  	_ =	swait.ge [sflag:s5], $0x20  }
0x30: {  	s15 =	sshrl.u32 s13, $0x3;
	[sflag:s5] =	ssyncset.done $0x0  }
0x31: {  	s31 =	sand.u32 $0x7, s13;
	s15 =	sadd.s32 s8, s15;
	[sflag:s5] =	ssyncadd.s32 $0xFFFFFFE0  }
0x32: {  	[hbm4b:s15+s31] =	stream.linear.scatter [tilespmem:s14], [sflag:$0x3], $0x20, $0x38;
	[tilespmem:$0x80] =	vst v63  }
.LBB2_6:
0x33: {  	_ =	sfence.sel $0x180000  }
0x34: {  	s2 =	simm.s32 $0x2;
	[bflag:$0x0] =	sbarrier.arrive $0xFFFF  }
0x35: {  	s30 =	simm.s32 $0x3;
	[sflag:s2] =	ssyncpa.u1 $0x1  }
0x36: {  	s31 =	simm.s32 $0x1;
	[sflag:s30] =	ssyncpa.u1 $0x1  }
0x37: {  	[sflag:s31] =	ssyncpa.u1 $0x1  }
0x38: {  	p0 =	sne.s32 s0, $0x0;
	_ =	strace $0x90000050  }
0x39: {  	s0 =	sadd.s32 @!p0 $0x100000, s1;
	[bflag:$0x2] =	sbarrier.arrive $0xFFFF  }
0x3a: {  	[sflag:s0] =	ssyncadd.tile.s32 @!p0 $0x1;
	_ =	shalt  }
.Lfunc_end2:
_tile_overlayer_lowered:
.L_overlay_start_2:
0x3b: {  	(tag) =	ssettag $0x2  }
0x3c: {  	s0 =	rddreg [dreg:$0x0];
	s2 =	stileid.u32  }
0x3d: {  	s1 =	rddreg [dreg:$0x1];
	p0 =	sne.s32 s2, $0x0  }
0x3e: {  	s3 =	rddreg [dreg:$0x2];
	[bflag:$0x3] =	sbarrier.arrive $0xFFFF;
	s2 =	simm.s32 @!p0 $0x1C01  }
0x3f: {  	[timem:s3], [sflag:s2] =	dma.local @!p0 [hbm:s0], s1  }
0x40: {  	s0 =	simm.s32 @!p0 $0x1  }
0x41: {  	_ =	swait.ge @!p0 [sflag:s0], s1  }
0x42: {  	s1 =	ssub.s32 @!p0 $0x0, s1;
	[sflag:s0] =	ssyncset.done @!p0 $0x0  }
0x43: {  	[sflag:s0] =	ssyncadd.s32 @!p0 s1  }
0x44: {  	[bflag:$0x3] =	sbarrier.arrive $0xFFFF  }
0x45: {  	_ =	shalt  }

// kernel: gather_offload_async_start.3
scs
__scs_entry_jumppad:
0x0: {  	(pc) =	sbr.rel $0x88, $3  }
0x1: {  	(tag) =	ssettag $0x0;
	lr =	simm.s32 $0x1  }
0x2: {  	[smem:$0x3F16] =	sst lr;
	_ =	strace $0xD0000000  }
0x3: {  	_ = 	snop  }
0x4: {  	_ = 	snop  }
0x5: {  	_ = 	snop  }
0x6: {  	_ = 	snop  }
0x7: {  	_ = 	snop  }
__scs_overlays_trampoline_lowered:
0x8: {  	[smem:$0x3F25] =	sst s0  }
0x9: {  	[smem:$0x3F26] =	sst s1  }
0xa: {  	[smem:$0x3F27] =	sst s2  }
0xb: {  	[smem:$0x3F28] =	sst s3  }
0xc: {  	[smem:$0x3F29] =	sst s4  }
0xd: {  	[smem:$0x3F2A] =	sst s5  }
0xe: {  	[smem:$0x3F2B] =	sst s6  }
0xf: {  	[smem:$0x3F2C] =	sst s7  }
0x10: {  	[smem:$0x3F2D] =	sst s8  }
0x11: {  	[smem:$0x3F2E] =	sst s9;
	s0 =	simm.s32 @!p0 $0x0  }
0x12: {  	s1 =	sld [smem:$0x3F14];
	s0 =	simm.s32 @p0 $0x1  }
0x13: {  	[smem:$0x3F2F] =	sst s0;
	s0 =	simm.s32 @!p1 $0x0  }
0x14: {  	s2 =	sld [smem:$0x3F13];
	s0 =	simm.s32 @p1 $0x1  }
0x15: {  	[smem:$0x3F30] =	sst s0;
	s0 =	simm.s32 @!p2 $0x0  }
0x16: {  	s3 =	sld [smem:$0x3FDB];
	s0 =	simm.s32 @p2 $0x1  }
0x17: {  	s4 =	simm.s32 $0x1BF5;
	[smem:$0x3F32] =	sst s0  }
0x18: {  	s0 =	sld [smem:$0x3F15];
	_ =	swait.ge [sflag:s4], $0x0  }
0x19: {  	s7 =	sld [smem:$0x3F16]  }
0x1a: {  	s8 =	sadd.s32 $0xFFFFE003, lr  }
0x1b: {  	s9 =	sadd.s32 $0xFFFFFEF7, lr;
	s5 =	simm.s32 $0xFFFFFFFF;
	p2 =	slt.u32 s8, $0xFFFFF086  }
0x1c: {  	p1 =	slt.u32 s9, $0xF7A;
	s5 =	simm.s32 @!p2 $0x0  }
0x1d: {  	s5 =	simm.s32 @p1 $0x1;
	p0 =	seq.s32 s7, s2  }
0x1e: {  	s7 =	smul.u32 @!p0 $0xF7A, s2;
	p2 =	seq.s32 @!p0 s5, $0x0  }
0x1f: {  	s9 =	smul.u32 $0xF7A, s1;
	s8 =	simm.s32 @!p0 $0x1BF5;
	p2 =	por !p2, p0  }
0x20: {  	[sflag:s8] =	ssyncset.s32 @!p0 $0xFFFFF086;
	s6 =	sadd.s32 @!p0 s3, s7;
	s7 =	simm.s32 @!p0 $0x108  }
0x21: {  	s3 =	sadd.s32 s3, s9;
	s6 =	sadd.s32 @!p0 $0x88, s6;
	s7 =	simm.s32 @p2 $0x1082  }
0x22: {  	[simem:s7], [sflag:s8] =	dma.local @!p0 [hbm:s6], $0xF7A  }
0x23: {  	s9 =	sor.u32 $0xD0000000, s2;
	s6 =	simm.s32 $0x108;
	_ =	swait.ge @!p0 [sflag:s8], $0x0  }
0x24: {  	s3 =	sadd.s32 $0x88, s3;
	s6 =	simm.s32 @!p1 $0x1082;
	[sflag:s4] =	ssyncset.s32 $0xFFFFF086  }
0x25: {  	[simem:s6], [sflag:s4] =	dma.local [hbm:s3], $0xF7A  }
0x26: {  	[smem:$0x3F16] =	sst s1;
	(tag) =	ssettag s2;
	_ =	strace s9  }
0x27: {  	s1 =	sld [smem:$0x3F26]  }
0x28: {  	s2 =	sld [smem:$0x3F27]  }
0x29: {  	s4 =	sld [smem:$0x3F29]  }
0x2a: {  	p0 =	seq.s32 s5, $0x0;
	s5 =	sld [smem:$0x3F2A]  }
0x2b: {  	s6 =	sld [smem:$0x3F2B]  }
0x2c: {  	s7 =	sld [smem:$0x3F2C]  }
0x2d: {  	s3 =	simm.s32 $0x108;
	s8 =	sld [smem:$0x3F2D]  }
0x2e: {  	s3 =	simm.s32 @!p0 $0x1082;
	s9 =	sld [smem:$0x3F2E]  }
0x2f: {  	lr =	sadd.s32 s0, s3;
	s0 =	sld [smem:$0x3F25]  }
0x30: {  	s3 =	sld [smem:$0x3F28]  }
0x31: {  	[smem:$0x3F31] =	sst s10  }
0x32: {  	s10 =	sld [smem:$0x3F2F];
	_ =	sdelay $0x3  }
0x33: {  	p0 =	seq.s32 s10, $0x1;
	s10 =	sld [smem:$0x3F31];
	_ =	sdelay $0x3  }
0x34: {  	[smem:$0x3F31] =	sst s10  }
0x35: {  	s10 =	sld [smem:$0x3F30];
	_ =	sdelay $0x3  }
0x36: {  	p1 =	seq.s32 s10, $0x1;
	s10 =	sld [smem:$0x3F31];
	_ =	sdelay $0x3  }
0x37: {  	[smem:$0x3F31] =	sst s10  }
0x38: {  	s10 =	sld [smem:$0x3F32]  }
0x39: {  	_ = 	snop;
	(pc) =	sbr.ind lr, $3  }
0x3a: {  	_ = 	snop  }
0x3b: {  	_ = 	snop  }
0x3c: {  	p2 =	seq.s32 s10, $0x1;
	s10 =	sld [smem:$0x3F31]  }
0x3d: {  	_ =	shalt  }
0x3e: {  	_ =	shalt  }
0x3f: {  	_ =	shalt  }
0x40: {  	_ =	shalt  }
0x41: {  	_ =	shalt  }
0x42: {  	_ =	shalt  }
0x43: {  	_ =	shalt  }
0x44: {  	_ =	shalt  }
0x45: {  	_ =	shalt  }
0x46: {  	_ =	shalt  }
0x47: {  	_ =	shalt  }
0x48: {  	_ =	shalt  }
0x49: {  	_ =	shalt  }
0x4a: {  	_ =	shalt  }
0x4b: {  	_ =	shalt  }
0x4c: {  	_ =	shalt  }
0x4d: {  	_ =	shalt  }
0x4e: {  	_ =	shalt  }
0x4f: {  	_ =	shalt  }
0x50: {  	_ =	shalt  }
0x51: {  	_ =	shalt  }
0x52: {  	_ =	shalt  }
0x53: {  	_ =	shalt  }
0x54: {  	_ =	shalt  }
0x55: {  	_ =	shalt  }
0x56: {  	_ =	shalt  }
0x57: {  	_ =	shalt  }
0x58: {  	_ =	shalt  }
0x59: {  	_ =	shalt  }
0x5a: {  	_ =	shalt  }
0x5b: {  	_ =	shalt  }
0x5c: {  	_ =	shalt  }
0x5d: {  	_ =	shalt  }
0x5e: {  	_ =	shalt  }
0x5f: {  	_ =	shalt  }
0x60: {  	_ =	shalt  }
0x61: {  	_ =	shalt  }
0x62: {  	_ =	shalt  }
0x63: {  	_ =	shalt  }
0x64: {  	_ =	shalt  }
0x65: {  	_ =	shalt  }
0x66: {  	_ =	shalt  }
0x67: {  	_ =	shalt  }
0x68: {  	_ =	shalt  }
0x69: {  	_ =	shalt  }
0x6a: {  	_ =	shalt  }
0x6b: {  	_ =	shalt  }
0x6c: {  	_ =	shalt  }
0x6d: {  	_ =	shalt  }
0x6e: {  	_ =	shalt  }
0x6f: {  	_ =	shalt  }
0x70: {  	_ =	shalt  }
0x71: {  	_ =	shalt  }
0x72: {  	_ =	shalt  }
0x73: {  	_ =	shalt  }
0x74: {  	_ =	shalt  }
0x75: {  	_ =	shalt  }
0x76: {  	_ =	shalt  }
0x77: {  	_ =	shalt  }
0x78: {  	_ =	shalt  }
0x79: {  	_ =	shalt  }
0x7a: {  	_ =	shalt  }
0x7b: {  	_ =	shalt  }
0x7c: {  	_ =	shalt  }
0x7d: {  	_ =	shalt  }
0x7e: {  	_ =	shalt  }
0x7f: {  	_ =	shalt  }
0x80: {  	_ =	shalt  }
0x81: {  	_ =	shalt  }
0x82: {  	_ =	shalt  }
0x83: {  	_ =	shalt  }
0x84: {  	_ =	shalt  }
0x85: {  	_ =	shalt  }
0x86: {  	_ =	shalt  }
0x87: {  	_ =	shalt  }
.Lfunc_end0:
.L_simem_size_0:
called_computation.3_lowered:
.L_overlay_start_0:
0x88: {  	s2 =	sld [smem:$0x3FD9]  }
0x89: {  	s3 =	sld [smem:$0x3FFE];
	_ =	sdelay $0x1  }
0x8a: {  	s1 =	srdreg.scid  }
0x8b: {  	s0 =	sand.u32 $0x1, s1  }
0x8c: {  	s16 =	sshll.u32 s0, $0xA;
	s2 =	sadd.s32 s3, s2  }
0x8d: {  	s2 =	sadd.s32 s2, s16  }
0x8e: {  	[smem:$0x3F3D] =	sst s2  }
0x8f: {  	_ = 	snop  }
0x90: {  	(tm) =	ssettm $0x1  }
0x91: {  	s17 =	sld [smem:$0x3FFB];
	_ =	sdelay $0x3  }
0x92: {  	_ =	strace s17  }
0x93: {  	s2 =	sld [smem:$0x3FFC];
	_ =	sdelay $0x3  }
0x94: {  	_ =	strace s2  }
0x95: {  	s2 =	sld [smem:$0x3FFD];
	_ =	sdelay $0x3  }
0x96: {  	_ =	strace s2  }
0x97: {  	_ =	strace $0x8FFFFFFF  }
0x98: {  	s18 =	sld [smem:$0x3FDB];
	_ =	sdelay $0x1  }
0x99: {  	s19 =	simm.s32 $_scs_section_size  }
0x9a: {  	s4 =	simm.s32 $_size__tile_overlayer_lowered;
	s5 =	simm.s32 $_tile_overlayer_lowered  }
0x9b: {  	s22 =	simm.s32 $0x1BFF;
	s21 =	sshll.u32 s5, $0x1;
	s2 =	sadd.s32 s19, s18  }
0x9c: {  	s6 =	simm.s32 $0x0;
	s20 =	sshll.u32 s4, $0x1;
	s4 =	sadd.s32 s21, s2  }
0x9d: {  	[timem:s6], [sflag:s22] =	dma.local [hbm:s4], s20  }
0x9e: {  	_ =	swait.ge [sflag:s22], s20  }
0x9f: {  	s3 =	ssub.s32 $0x0, s20;
	[sflag:s22] =	ssyncset.done $0x0  }
0xa0: {  	[sflag:s22] =	ssyncadd.s32 s3;
	_ =	sdelay $0x1  }
0xa1: {  	s23 =	simm.s32 $0x1B8B  }
0xa2: {  	_ =	swait.ge [sflag:s23], $0x1  }
0xa3: {  	[sflag:s23] =	ssyncset.done $0x0  }
0xa4: {  	s25 =	simm.s32 $0x1B8E;
	s24 =	sld [smem:$0x3FFE];
	[sflag:s23] =	ssyncadd.s32 $0xFFFFFFFF  }
0xa5: {  	s26 =	simm.s32 $execute0_lowered;
	[smem:$0x3FD2] =	sst s25  }
0xa6: {  	s4 =	sshll.u32 s26, $0x1;
	_ =	strace $0x80000052;
	[dreg:$0x1] =	wrdreg $0xFFFFFFFF  }
0xa7: {  	s28 =	simm.s32 $_size_execute0_lowered;
	s2 =	sadd.s32 s2, s4;
	[dreg:$0x0] =	wrdreg $0x0  }
0xa8: {  	s4 =	sshll.u32 s28, $0x1;
	[dreg:$0x2] =	wrdreg s2  }
0xa9: {  	[dreg:$0x3] =	wrdreg s4  }
0xaa: {  	[dreg:$0x4] =	wrdreg $0xC0  }
0xab: {  	_ =	task [dreg:s6], $0x5FFFF  }
0xac: {  	[dreg:$0x1] =	wrdreg $0xFFFFFFFF  }
0xad: {  	[dreg:$0x0] =	wrdreg $0x60  }
0xae: {  	[dreg:$0x2] =	wrdreg s24  }
0xaf: {  	[dreg:$0x3] =	wrdreg $0x9  }
0xb0: {  	_ =	task.clear_ibuf [dreg:s6], $0x4FFFF;
	_ =	strace $0x90000052  }
0xb1: {  	s29 =	simm.s32 $0x9;
	_ =	strace $0x80000054  }
0xb2: {  	_ =	swait.ge [sflag:s29], $0x1  }
0xb3: {  	[sflag:s29] =	ssyncadd.s32 $0xFFFFFFFF  }
0xb4: {  	_ =	strace $0x90000054  }
0xb5: {  	_ =	sfence  }
0xb6: {  	s30 =	sld [smem:$0x0];
	_ =	sdelay $0x2  }
0xb7: {  	s31 =	sshll.u32 s1, $0xD;
	s1 =	sshrl.u32 s1, $0x2  }
0xb8: {  	s3 =	sand.u32 $0x4000, s31;
	s1 =	sadd.s32 s1, s30  }
0xb9: {  	s0 =	sor.u32 s3, s0;
	s1 =	sshll.u32 s1, $0x11  }
0xba: {  	s0 =	sor.u32 s1, s0  }
0xbb: {  	s0 =	sadd.s32 $0x8F2B, s0  }
0xbc: {  	[sflag:s0] =	ssyncadd.remote.s32 $0x1  }
0xbd: {  	_ =	sfence.sel $0xFFFF  }
0xbe: {  	[dreg:$0x0] =	wrdreg $0xFFFFFFFF;
	(pc) =	sbr.abs _section_cstart, $3  }
0xbf: {  	[dreg:$0x1] =	wrdreg $0xFFFFFFFF  }
0xc0: {  	_ =	task.clear_ibuf [dreg:s6], $0x2FFFF;
	_ =	strace $0x9FFFFFFF  }
0xc1: {  	(tm) =	ssettm $0x7FFFFFFF  }
tec
execute0_lowered:
.L_overlay_start_1:
0x0: {  	(tag) =	ssettag $0x1  }
0x1: {  	s0 =	srdreg.scid;
	s5 =	rddreg [dreg:$0x0]  }
0x2: {  	s1 =	stileid.u32;
	s6 =	simm.s32 $0x1;
	s9 =	simm.s32 $0x1  }
0x3: {  	s10 =	simm.s32 $0x3;
	s13 =	simm.s32 $0x0;
	s2 =	sshll.u32 s0, $0x7  }
0x4: {  	s12 =	simm.s32 $0x0;
	s3 =	sshll.u32 s1, $0x8;
	s2 =	sand.u32 $0x80, s2  }
0x5: {  	s0 =	rddreg [dreg:$0x1];
	_ =	strace $0x80000053;
	s2 =	sor.u32 s3, s2  }
0x6: {  	s4 =	sadd.s32 $0x84A00, s5;
	[sflag:s6] =	ssyncpa.u1 $0x0;
	s8 =	ssub.s32 $0x1800, s2  }
.Ltmp0:
0x7: {  	s3 =	sadd.s32 $0xACC00, s5;
	s7 =	sand.u32 $0xF80, s8;
	(pc) =	sbr.rel .LBB2_1-.Ltmp0, $4  }
0x8: {  	s5 =	sadd.s32 $0xB0C00, s5;
	s11 =	smov.u32 s2;
	p0 =	sne.s32 s7, $0x0  }
0x9: {  	s8 =	sshrl.u32 s8, $0xC;
	s7 =	simm.s32 $0x2;
	s9 =	simm.s32 @!p0 $0x0  }
0xa: {  	[sflag:s7] =	ssyncpa.u1 $0x0;
	p0 =	por $0x0, $0x0;
	s8 =	sadd.s32 s9, s8  }
0xb: {  	vm0 =	vmmov $0xffff;
	[sflag:s10] =	ssyncpa.u1 $0x0;
	s10 =	simm.s32 $0x0;
	s9 =	sadd.s32 $0x1, s8  }
.LBB2_4:
0xc: {  	v3 =	vshrl.u32 v0, $0x3;
	v4 =	vshrl.u32 v0, $0xB;
	v1 =	vor.u32 v1, v2  }
0xd: {  	v62 =	vshll.u32 v0, $0xE;
	v60 =	vand.u32 $0xFF, v3;
	v61 =	vand.u32 $0x3F, v4  }
0xe: {  	v0 =	vand.u32 $0x1C000, v62;
	v2 =	vsel vm1, $0xFFFFFFFF, v60;
	v3 =	vsel vm1, $0xFFFFFFFF, v61  }
0xf: {  	v0 =	vsel vm1, $0xFFFFC000, v0;
	v63 =	vand.u32 $0x7F, v2;
	v5 =	vshll.u32 v3, $0x8  }
0x10: {  	v2 =	vshll.u32 v2, $0x3;
	v5 =	vand.u32 $0xFFFFF800, v5;
	v0 =	vor.u32 v0, v63  }
0x11: {  	v3 =	vshll.u32 v3, $0x7;
	v2 =	vand.u32 $0xFFFFFC00, v2;
	v0 =	vadd.s32 v5, v0  }
0x12: {  	v3 =	vand.u32 $0x380, v3;
	v0 =	vadd.s32 v2, v0  }
0x13: {  	v0 =	vor.u32 v3, v0;
	_ =	sdelay $0x1  }
0x14: {  	(ifvalue) =	ssetifvalue $0x7FFFFFFF;
	s14 =	sadd.s32 $0x10, s14  }
0x15: {  	[tilespmem:s14], [sflag:$0x1] =	stream.indirect_vreg.gather [hbm4b:s3+s10], $0x1, v1, vm0, $0x4038;
	[tilespmem:$0x200] =	vst v63  }
0x16: {  	(ifvalue) =	ssetifvalue $0x7FFFFFFF;
	s14 =	sadd.s32 $0x10, s14  }
0x17: {  	[tilespmem:s14], [sflag:$0x1] =	stream.indirect_vreg.gather [hbm4b:s3+s10], $0x1, v0, vm0, $0x4038;
	[tilespmem:$0x200] =	vst v63  }
0x18: {  	_ =	swait.ge [sflag:s6], $0x80  }
0x19: {  	s30 =	sshrl.u32 s13, $0x3;
	[sflag:s6] =	ssyncset.done $0x0  }
0x1a: {  	s31 =	sand.u32 $0x7, s13;
	s14 =	sadd.s32 s5, s30;
	[sflag:s6] =	ssyncadd.s32 $0xFFFFFF80  }
0x1b: {  	[hbm4b:s14+s31] =	stream.linear.scatter [tilespmem:s15], [sflag:$0x3], $0x80, $0x38;
	[tilespmem:$0x200] =	vst v63  }
.LBB2_5:
0x1c: {  	s15 =	sadd.s32 $0x1000, s11  }
0x1d: {  	p2 =	sgt.s32 s15, $0x17FF  }
0x1e: {  	s15 =	smov.u32 @p2 s2;
	p2 =	sne.s32 s12, s9  }
.Ltmp1:
0x1f: {  	p1 =	slt.u32 s12, $0x2;
	(pc) =	sbr.rel @!p2 .LBB2_6-.Ltmp1, $4  }
0x20: {  	s14 =	simm.s32 @!p1 $0x3  }
0x21: {  	s16 =	sadd.s32 $0x1, s12;
	_ =	swait.ge @!p1 [sflag:s14], $0x80  }
0x22: {  	s13 =	smov.u32 s11;
	p0 =	por !p0, !p0;
	[sflag:s14] =	ssyncset.done @!p1 $0x0  }
0x23: {  	s12 =	smov.u32 s16;
	s11 =	smov.u32 s15;
	[sflag:s14] =	ssyncadd.s32 @!p1 $0xFFFFFF80  }
.LBB2_1:
0x24: {  	p1 =	sge.u32 s12, s8  }
0x25: {  	s14 =	sxor.u32 @!p1 $0xFFFFFFFF, s12  }
0x26: {  	s31 =	sadd.s32 $0xFFFFFFFF, s12;
	s15 =	sshrl.u32 @!p1 s11, $0x3;
	s14 =	sshll.u32 @!p1 s14, $0x7  }
0x27: {  	s16 =	sand.u32 @!p1 $0x7, s11;
	s15 =	sadd.s32 @!p1 s4, s15;
	s14 =	sand.u32 @!p1 $0x80, s14  }
0x28: {  	[tilespmem:s14], [sflag:$0x2] =	stream.linear.gather @!p1 [hbm4b:s15+s16], $0x80, $0x38;
	[tilespmem:$0x200] =	vst v63  }
0x29: {  	p1 =	sge.u32 s31, s8  }
.Ltmp2:
0x2a: {  	_ = 	snop;
	(pc) =	sbr.rel @p1 .LBB2_5-.Ltmp2, $1  }
0x2b: {  	_ =	sdelay $0x3  }
0x2c: {  	s14 =	simm.s32 $0x1  }
0x2d: {  	_ =	swait.ge [sflag:s7], $0x80;
	s14 =	simm.s32 @!p0 $0x0  }
0x2e: {  	[sflag:s7] =	ssyncset.done $0x0;
	s14 =	sshll.u32 s14, $0x7  }
0x2f: {  	[sflag:s7] =	ssyncadd.s32 $0xFFFFFF80;
	(ifvalue) =	ssetifvalue $0x7FFFFFFF;
	v0 =	vld.msk [tilespmem:s14+$0x0 ss:$0x1], $0xffff;
	_ =	sdelay $0x4  }
0x30: {  	s15 =	sadd.s32 $0x10, s14;
	vm1 =	veq.s32 v0, $0x80000000;
	v1 =	vshrl.u32 v0, $0x3;
	v2 =	vshrl.u32 v0, $0xB  }
0x31: {  	v3 =	vld.msk [tilespmem:s15+$0x0 ss:$0x1], $0xffff;
	v0 =	vshll.u32 v0, $0xE;
	v1 =	vand.u32 $0xFF, v1;
	v2 =	vand.u32 $0x3F, v2  }
0x32: {  	v0 =	vand.u32 $0x1C000, v0;
	v1 =	vsel vm1, $0xFFFFFFFF, v1;
	v2 =	vsel vm1, $0xFFFFFFFF, v2  }
0x33: {  	v0 =	vsel vm1, $0xFFFFC000, v0;
	v4 =	vand.u32 $0x7F, v1;
	v5 =	vshll.u32 v2, $0x8  }
0x34: {  	v1 =	vshll.u32 v1, $0x3;
	v5 =	vand.u32 $0xFFFFF800, v5;
	v0 =	vor.u32 v0, v4  }
0x35: {  	v2 =	vshll.u32 v2, $0x7;
	v1 =	vand.u32 $0xFFFFFC00, v1;
	v0 =	vadd.s32 v5, v0  }
0x36: {  	v62 =	vshrl.u32 v3, $0xB;
	v2 =	vand.u32 $0x380, v2;
	v0 =	vadd.s32 v1, v0  }
0x37: {  	s17 =	sadd.s32 $0x10, s15;
	vm1 =	veq.s32 v3, $0x80000000;
	v1 =	vor.u32 v2, v0;
	v2 =	vshrl.u32 v3, $0x3  }
0x38: {  	v4 =	vand.u32 $0x3F, v62;
	v0 =	vld.msk [tilespmem:s17+$0x0 ss:$0x1], $0xffff;
	v3 =	vshll.u32 v3, $0xE;
	v2 =	vand.u32 $0xFF, v2  }
0x39: {  	v4 =	vsel vm1, $0xFFFFFFFF, v4;
	v3 =	vand.u32 $0x1C000, v3;
	v2 =	vsel vm1, $0xFFFFFFFF, v2  }
0x3a: {  	s31 =	sshll.u32 s12, $0x7;
	v6 =	vshll.u32 v4, $0x8;
	v3 =	vsel vm1, $0xFFFFC000, v3;
	v63 =	vand.u32 $0x7F, v2  }
0x3b: {  	s14 =	sor.u32 $0x100, s14;
	s15 =	sand.u32 $0x80, s31;
	(ifvalue) =	ssetifvalue $0x7FFFFFFF;
	v6 =	vand.u32 $0xFFFFF800, v6;
	v2 =	vshll.u32 v2, $0x3;
	v3 =	vor.u32 v3, v63  }
0x3c: {  	v2 =	vand.u32 $0xFFFFFC00, v2;
	[tilespmem:s14], [sflag:$0x1] =	stream.indirect_vreg.gather [hbm4b:s3+s10], $0x1, v1, vm0, $0x4038;
	v1 =	vshll.u32 v4, $0x7;
	v3 =	vadd.s32 v6, v3;
	[tilespmem:$0x200] =	vst v63  }
0x3d: {  	s16 =	simm.s32 $0x20;
	s15 =	sor.u32 $0x100, s15;
	s17 =	sadd.s32 $0x10, s17;
	vm1 =	veq.s32 v0, $0x80000000;
	v1 =	vand.u32 $0x380, v1;
	v2 =	vadd.s32 v2, v3  }
.LBB2_3:
0x3e: {  	v3 =	vld.msk [tilespmem:s17+$0x0 ss:$0x1], $0xffff;
	v4 =	vshrl.u32 v0, $0x3;
	v5 =	vshrl.u32 v0, $0xB;
	v1 =	vor.u32 v1, v2;
	s16 =	sadd.s32 $0x10, s16  }
0x3f: {  	v0 =	vshll.u32 v0, $0xE;
	v2 =	vand.u32 $0xFF, v4;
	v4 =	vand.u32 $0x3F, v5;
	p1 =	slt.u32 s16, $0x70  }
.Ltmp3:
0x40: {  	v0 =	vand.u32 $0x1C000, v0;
	v2 =	vsel vm1, $0xFFFFFFFF, v2;
	v4 =	vsel vm1, $0xFFFFFFFF, v4;
	(pc) =	sbr.rel @p1 .LBB2_3-.Ltmp3, $4  }
0x41: {  	v0 =	vsel vm1, $0xFFFFC000, v0;
	v5 =	vand.u32 $0x7F, v2;
	v6 =	vshll.u32 v4, $0x8  }
0x42: {  	s14 =	sadd.s32 $0x10, s14;
	v2 =	vshll.u32 v2, $0x3;
	v6 =	vand.u32 $0xFFFFF800, v6;
	v7 =	vor.u32 v0, v5;
	(ifvalue) =	ssetifvalue $0x7FFFFFFF  }
0x43: {  	v4 =	vshll.u32 v4, $0x7;
	v2 =	vand.u32 $0xFFFFFC00, v2;
	v5 =	vadd.s32 v6, v7;
	[tilespmem:s14], [sflag:$0x1] =	stream.indirect_vreg.gather [hbm4b:s3+s10], $0x1, v1, vm0, $0x4038;
	[tilespmem:$0x200] =	vst v63  }
0x44: {  	s17 =	sadd.s32 $0x10, s17;
	vm1 =	veq.s32 v3, $0x80000000;
	v1 =	vand.u32 $0x380, v4;
	v0 =	vmovc v3;
	v2 =	vadd.s32 v2, v5  }
.Ltmp4:
0x45: {  	_ = 	snop;
	(pc) =	sbr.rel .LBB2_4-.Ltmp4, $1  }
0x46: {  	_ =	sdelay $0x3  }
.LBB2_6:
0x47: {  	_ =	sfence.sel $0x180000  }
0x48: {  	s2 =	simm.s32 $0x2;
	[bflag:$0x0] =	sbarrier.arrive $0xFFFF  }
0x49: {  	s30 =	simm.s32 $0x3;
	[sflag:s2] =	ssyncpa.u1 $0x1  }
0x4a: {  	s31 =	simm.s32 $0x1;
	[sflag:s30] =	ssyncpa.u1 $0x1  }
0x4b: {  	[sflag:s31] =	ssyncpa.u1 $0x1  }
0x4c: {  	p0 =	sne.s32 s1, $0x0;
	_ =	strace $0x90000053  }
0x4d: {  	s0 =	sadd.s32 @!p0 $0x100000, s0;
	[bflag:$0x2] =	sbarrier.arrive $0xFFFF  }
0x4e: {  	[sflag:s0] =	ssyncadd.tile.s32 @!p0 $0x1;
	_ =	shalt  }
.Lfunc_end2:
_tile_overlayer_lowered:
.L_overlay_start_2:
0x4f: {  	(tag) =	ssettag $0x2  }
0x50: {  	s0 =	rddreg [dreg:$0x0];
	s2 =	stileid.u32  }
0x51: {  	s1 =	rddreg [dreg:$0x1];
	p0 =	sne.s32 s2, $0x0  }
0x52: {  	s3 =	rddreg [dreg:$0x2];
	[bflag:$0x3] =	sbarrier.arrive $0xFFFF;
	s2 =	simm.s32 @!p0 $0x1C01  }
0x53: {  	[timem:s3], [sflag:s2] =	dma.local @!p0 [hbm:s0], s1  }
0x54: {  	s0 =	simm.s32 @!p0 $0x1  }
0x55: {  	_ =	swait.ge @!p0 [sflag:s0], s1  }
0x56: {  	s1 =	ssub.s32 @!p0 $0x0, s1;
	[sflag:s0] =	ssyncset.done @!p0 $0x0  }
0x57: {  	[sflag:s0] =	ssyncadd.s32 @!p0 s1  }
0x58: {  	[bflag:$0x3] =	sbarrier.arrive $0xFFFF  }
0x59: {  	_ =	shalt  }

// kernel: gather_offload_async_start.4
scs
__scs_entry_jumppad:
0x0: {  	(pc) =	sbr.rel $0x88, $3  }
0x1: {  	(tag) =	ssettag $0x0;
	lr =	simm.s32 $0x1  }
0x2: {  	[smem:$0x3F16] =	sst lr;
	_ =	strace $0xD0000000  }
0x3: {  	_ = 	snop  }
0x4: {  	_ = 	snop  }
0x5: {  	_ = 	snop  }
0x6: {  	_ = 	snop  }
0x7: {  	_ = 	snop  }
__scs_overlays_trampoline_lowered:
0x8: {  	[smem:$0x3F25] =	sst s0  }
0x9: {  	[smem:$0x3F26] =	sst s1  }
0xa: {  	[smem:$0x3F27] =	sst s2  }
0xb: {  	[smem:$0x3F28] =	sst s3  }
0xc: {  	[smem:$0x3F29] =	sst s4  }
0xd: {  	[smem:$0x3F2A] =	sst s5  }
0xe: {  	[smem:$0x3F2B] =	sst s6  }
0xf: {  	[smem:$0x3F2C] =	sst s7  }
0x10: {  	[smem:$0x3F2D] =	sst s8  }
0x11: {  	[smem:$0x3F2E] =	sst s9;
	s0 =	simm.s32 @!p0 $0x0  }
0x12: {  	s1 =	sld [smem:$0x3F14];
	s0 =	simm.s32 @p0 $0x1  }
0x13: {  	[smem:$0x3F2F] =	sst s0;
	s0 =	simm.s32 @!p1 $0x0  }
0x14: {  	s2 =	sld [smem:$0x3F13];
	s0 =	simm.s32 @p1 $0x1  }
0x15: {  	[smem:$0x3F30] =	sst s0;
	s0 =	simm.s32 @!p2 $0x0  }
0x16: {  	s3 =	sld [smem:$0x3FDB];
	s0 =	simm.s32 @p2 $0x1  }
0x17: {  	s4 =	simm.s32 $0x1BF5;
	[smem:$0x3F32] =	sst s0  }
0x18: {  	s0 =	sld [smem:$0x3F15];
	_ =	swait.ge [sflag:s4], $0x0  }
0x19: {  	s7 =	sld [smem:$0x3F16]  }
0x1a: {  	s8 =	sadd.s32 $0xFFFFE003, lr  }
0x1b: {  	s9 =	sadd.s32 $0xFFFFFEF7, lr;
	s5 =	simm.s32 $0xFFFFFFFF;
	p2 =	slt.u32 s8, $0xFFFFF086  }
0x1c: {  	p1 =	slt.u32 s9, $0xF7A;
	s5 =	simm.s32 @!p2 $0x0  }
0x1d: {  	s5 =	simm.s32 @p1 $0x1;
	p0 =	seq.s32 s7, s2  }
0x1e: {  	s7 =	smul.u32 @!p0 $0xF7A, s2;
	p2 =	seq.s32 @!p0 s5, $0x0  }
0x1f: {  	s9 =	smul.u32 $0xF7A, s1;
	s8 =	simm.s32 @!p0 $0x1BF5;
	p2 =	por !p2, p0  }
0x20: {  	[sflag:s8] =	ssyncset.s32 @!p0 $0xFFFFF086;
	s6 =	sadd.s32 @!p0 s3, s7;
	s7 =	simm.s32 @!p0 $0x108  }
0x21: {  	s3 =	sadd.s32 s3, s9;
	s6 =	sadd.s32 @!p0 $0x88, s6;
	s7 =	simm.s32 @p2 $0x1082  }
0x22: {  	[simem:s7], [sflag:s8] =	dma.local @!p0 [hbm:s6], $0xF7A  }
0x23: {  	s9 =	sor.u32 $0xD0000000, s2;
	s6 =	simm.s32 $0x108;
	_ =	swait.ge @!p0 [sflag:s8], $0x0  }
0x24: {  	s3 =	sadd.s32 $0x88, s3;
	s6 =	simm.s32 @!p1 $0x1082;
	[sflag:s4] =	ssyncset.s32 $0xFFFFF086  }
0x25: {  	[simem:s6], [sflag:s4] =	dma.local [hbm:s3], $0xF7A  }
0x26: {  	[smem:$0x3F16] =	sst s1;
	(tag) =	ssettag s2;
	_ =	strace s9  }
0x27: {  	s1 =	sld [smem:$0x3F26]  }
0x28: {  	s2 =	sld [smem:$0x3F27]  }
0x29: {  	s4 =	sld [smem:$0x3F29]  }
0x2a: {  	p0 =	seq.s32 s5, $0x0;
	s5 =	sld [smem:$0x3F2A]  }
0x2b: {  	s6 =	sld [smem:$0x3F2B]  }
0x2c: {  	s7 =	sld [smem:$0x3F2C]  }
0x2d: {  	s3 =	simm.s32 $0x108;
	s8 =	sld [smem:$0x3F2D]  }
0x2e: {  	s3 =	simm.s32 @!p0 $0x1082;
	s9 =	sld [smem:$0x3F2E]  }
0x2f: {  	lr =	sadd.s32 s0, s3;
	s0 =	sld [smem:$0x3F25]  }
0x30: {  	s3 =	sld [smem:$0x3F28]  }
0x31: {  	[smem:$0x3F31] =	sst s10  }
0x32: {  	s10 =	sld [smem:$0x3F2F];
	_ =	sdelay $0x3  }
0x33: {  	p0 =	seq.s32 s10, $0x1;
	s10 =	sld [smem:$0x3F31];
	_ =	sdelay $0x3  }
0x34: {  	[smem:$0x3F31] =	sst s10  }
0x35: {  	s10 =	sld [smem:$0x3F30];
	_ =	sdelay $0x3  }
0x36: {  	p1 =	seq.s32 s10, $0x1;
	s10 =	sld [smem:$0x3F31];
	_ =	sdelay $0x3  }
0x37: {  	[smem:$0x3F31] =	sst s10  }
0x38: {  	s10 =	sld [smem:$0x3F32]  }
0x39: {  	_ = 	snop;
	(pc) =	sbr.ind lr, $3  }
0x3a: {  	_ = 	snop  }
0x3b: {  	_ = 	snop  }
0x3c: {  	p2 =	seq.s32 s10, $0x1;
	s10 =	sld [smem:$0x3F31]  }
0x3d: {  	_ =	shalt  }
0x3e: {  	_ =	shalt  }
0x3f: {  	_ =	shalt  }
0x40: {  	_ =	shalt  }
0x41: {  	_ =	shalt  }
0x42: {  	_ =	shalt  }
0x43: {  	_ =	shalt  }
0x44: {  	_ =	shalt  }
0x45: {  	_ =	shalt  }
0x46: {  	_ =	shalt  }
0x47: {  	_ =	shalt  }
0x48: {  	_ =	shalt  }
0x49: {  	_ =	shalt  }
0x4a: {  	_ =	shalt  }
0x4b: {  	_ =	shalt  }
0x4c: {  	_ =	shalt  }
0x4d: {  	_ =	shalt  }
0x4e: {  	_ =	shalt  }
0x4f: {  	_ =	shalt  }
0x50: {  	_ =	shalt  }
0x51: {  	_ =	shalt  }
0x52: {  	_ =	shalt  }
0x53: {  	_ =	shalt  }
0x54: {  	_ =	shalt  }
0x55: {  	_ =	shalt  }
0x56: {  	_ =	shalt  }
0x57: {  	_ =	shalt  }
0x58: {  	_ =	shalt  }
0x59: {  	_ =	shalt  }
0x5a: {  	_ =	shalt  }
0x5b: {  	_ =	shalt  }
0x5c: {  	_ =	shalt  }
0x5d: {  	_ =	shalt  }
0x5e: {  	_ =	shalt  }
0x5f: {  	_ =	shalt  }
0x60: {  	_ =	shalt  }
0x61: {  	_ =	shalt  }
0x62: {  	_ =	shalt  }
0x63: {  	_ =	shalt  }
0x64: {  	_ =	shalt  }
0x65: {  	_ =	shalt  }
0x66: {  	_ =	shalt  }
0x67: {  	_ =	shalt  }
0x68: {  	_ =	shalt  }
0x69: {  	_ =	shalt  }
0x6a: {  	_ =	shalt  }
0x6b: {  	_ =	shalt  }
0x6c: {  	_ =	shalt  }
0x6d: {  	_ =	shalt  }
0x6e: {  	_ =	shalt  }
0x6f: {  	_ =	shalt  }
0x70: {  	_ =	shalt  }
0x71: {  	_ =	shalt  }
0x72: {  	_ =	shalt  }
0x73: {  	_ =	shalt  }
0x74: {  	_ =	shalt  }
0x75: {  	_ =	shalt  }
0x76: {  	_ =	shalt  }
0x77: {  	_ =	shalt  }
0x78: {  	_ =	shalt  }
0x79: {  	_ =	shalt  }
0x7a: {  	_ =	shalt  }
0x7b: {  	_ =	shalt  }
0x7c: {  	_ =	shalt  }
0x7d: {  	_ =	shalt  }
0x7e: {  	_ =	shalt  }
0x7f: {  	_ =	shalt  }
0x80: {  	_ =	shalt  }
0x81: {  	_ =	shalt  }
0x82: {  	_ =	shalt  }
0x83: {  	_ =	shalt  }
0x84: {  	_ =	shalt  }
0x85: {  	_ =	shalt  }
0x86: {  	_ =	shalt  }
0x87: {  	_ =	shalt  }
.Lfunc_end0:
.L_simem_size_0:
called_computation.4_lowered:
.L_overlay_start_0:
0x88: {  	s2 =	sld [smem:$0x3FD9]  }
0x89: {  	s3 =	sld [smem:$0x3FFE];
	_ =	sdelay $0x1  }
0x8a: {  	s1 =	srdreg.scid  }
0x8b: {  	s0 =	sand.u32 $0x1, s1  }
0x8c: {  	s16 =	sshll.u32 s0, $0xA;
	s2 =	sadd.s32 s3, s2  }
0x8d: {  	s2 =	sadd.s32 s2, s16  }
0x8e: {  	[smem:$0x3F3D] =	sst s2  }
0x8f: {  	_ = 	snop  }
0x90: {  	(tm) =	ssettm $0x1  }
0x91: {  	s17 =	sld [smem:$0x3FFB];
	_ =	sdelay $0x3  }
0x92: {  	_ =	strace s17  }
0x93: {  	s2 =	sld [smem:$0x3FFC];
	_ =	sdelay $0x3  }
0x94: {  	_ =	strace s2  }
0x95: {  	s2 =	sld [smem:$0x3FFD];
	_ =	sdelay $0x3  }
0x96: {  	_ =	strace s2  }
0x97: {  	_ =	strace $0x8FFFFFFF  }
0x98: {  	s18 =	sld [smem:$0x3FDB];
	_ =	sdelay $0x1  }
0x99: {  	s19 =	simm.s32 $_scs_section_size  }
0x9a: {  	s4 =	simm.s32 $_size__tile_overlayer_lowered;
	s5 =	simm.s32 $_tile_overlayer_lowered  }
0x9b: {  	s22 =	simm.s32 $0x1BFF;
	s21 =	sshll.u32 s5, $0x1;
	s2 =	sadd.s32 s19, s18  }
0x9c: {  	s6 =	simm.s32 $0x0;
	s20 =	sshll.u32 s4, $0x1;
	s4 =	sadd.s32 s21, s2  }
0x9d: {  	[timem:s6], [sflag:s22] =	dma.local [hbm:s4], s20  }
0x9e: {  	_ =	swait.ge [sflag:s22], s20  }
0x9f: {  	s3 =	ssub.s32 $0x0, s20;
	[sflag:s22] =	ssyncset.done $0x0  }
0xa0: {  	[sflag:s22] =	ssyncadd.s32 s3;
	_ =	sdelay $0x1  }
0xa1: {  	s23 =	simm.s32 $0x1B8B  }
0xa2: {  	_ =	swait.ge [sflag:s23], $0x1  }
0xa3: {  	[sflag:s23] =	ssyncset.done $0x0  }
0xa4: {  	s25 =	simm.s32 $0x1B8E;
	s24 =	sld [smem:$0x3FFE];
	[sflag:s23] =	ssyncadd.s32 $0xFFFFFFFF  }
0xa5: {  	s26 =	simm.s32 $execute0_lowered;
	[smem:$0x3FD2] =	sst s25  }
0xa6: {  	s4 =	sshll.u32 s26, $0x1;
	_ =	strace $0x80000055;
	[dreg:$0x1] =	wrdreg $0xFFFFFFFF  }
0xa7: {  	s28 =	simm.s32 $_size_execute0_lowered;
	s2 =	sadd.s32 s2, s4;
	[dreg:$0x0] =	wrdreg $0x0  }
0xa8: {  	s4 =	sshll.u32 s28, $0x1;
	[dreg:$0x2] =	wrdreg s2  }
0xa9: {  	[dreg:$0x3] =	wrdreg s4  }
0xaa: {  	[dreg:$0x4] =	wrdreg $0xC0  }
0xab: {  	_ =	task [dreg:s6], $0x5FFFF  }
0xac: {  	[dreg:$0x1] =	wrdreg $0xFFFFFFFF  }
0xad: {  	[dreg:$0x0] =	wrdreg $0x60  }
0xae: {  	[dreg:$0x2] =	wrdreg s24  }
0xaf: {  	[dreg:$0x3] =	wrdreg $0x9  }
0xb0: {  	_ =	task.clear_ibuf [dreg:s6], $0x4FFFF;
	_ =	strace $0x90000055  }
0xb1: {  	s29 =	simm.s32 $0x9;
	_ =	strace $0x80000057  }
0xb2: {  	_ =	swait.ge [sflag:s29], $0x1  }
0xb3: {  	[sflag:s29] =	ssyncadd.s32 $0xFFFFFFFF  }
0xb4: {  	_ =	strace $0x90000057  }
0xb5: {  	_ =	sfence  }
0xb6: {  	s30 =	sld [smem:$0x0];
	_ =	sdelay $0x2  }
0xb7: {  	s31 =	sshll.u32 s1, $0xD;
	s1 =	sshrl.u32 s1, $0x2  }
0xb8: {  	s3 =	sand.u32 $0x4000, s31;
	s1 =	sadd.s32 s1, s30  }
0xb9: {  	s0 =	sor.u32 s3, s0;
	s1 =	sshll.u32 s1, $0x11  }
0xba: {  	s0 =	sor.u32 s1, s0  }
0xbb: {  	s0 =	sadd.s32 $0x8F2B, s0  }
0xbc: {  	[sflag:s0] =	ssyncadd.remote.s32 $0x1  }
0xbd: {  	_ =	sfence.sel $0xFFFF  }
0xbe: {  	[dreg:$0x0] =	wrdreg $0xFFFFFFFF;
	(pc) =	sbr.abs _section_cstart, $3  }
0xbf: {  	[dreg:$0x1] =	wrdreg $0xFFFFFFFF  }
0xc0: {  	_ =	task.clear_ibuf [dreg:s6], $0x2FFFF;
	_ =	strace $0x9FFFFFFF  }
0xc1: {  	(tm) =	ssettm $0x7FFFFFFF  }
tec
execute0_lowered:
.L_overlay_start_1:
0x0: {  	(tag) =	ssettag $0x1  }
0x1: {  	s0 =	srdreg.scid;
	s5 =	rddreg [dreg:$0x0]  }
0x2: {  	s1 =	stileid.u32;
	s6 =	simm.s32 $0x1;
	s9 =	simm.s32 $0x1  }
0x3: {  	s10 =	simm.s32 $0x3;
	s13 =	simm.s32 $0x0;
	s2 =	sshll.u32 s0, $0x9  }
0x4: {  	s12 =	simm.s32 $0x0;
	s3 =	sshll.u32 s1, $0xA;
	s2 =	sand.u32 $0x200, s2  }
0x5: {  	s0 =	rddreg [dreg:$0x1];
	_ =	strace $0x80000056;
	s2 =	sor.u32 s3, s2  }
0x6: {  	s4 =	sadd.s32 $0x85A00, s5;
	[sflag:s6] =	ssyncpa.u1 $0x0;
	s8 =	ssub.s32 $0x6000, s2  }
.Ltmp0:
0x7: {  	s3 =	sadd.s32 $0xE2200, s5;
	s7 =	sand.u32 $0x3E00, s8;
	(pc) =	sbr.rel .LBB2_1-.Ltmp0, $4  }
0x8: {  	s5 =	sadd.s32 $0x80200, s5;
	s11 =	smov.u32 s2;
	p0 =	sne.s32 s7, $0x0  }
0x9: {  	s8 =	sshrl.u32 s8, $0xE;
	s7 =	simm.s32 $0x2;
	s9 =	simm.s32 @!p0 $0x0  }
0xa: {  	[sflag:s7] =	ssyncpa.u1 $0x0;
	p0 =	por $0x0, $0x0;
	s8 =	sadd.s32 s9, s8  }
0xb: {  	vm0 =	vmmov $0xffff;
	[sflag:s10] =	ssyncpa.u1 $0x0;
	s10 =	simm.s32 $0x0;
	s9 =	sadd.s32 $0x1, s8  }
.LBB2_4:
0xc: {  	v3 =	vshrl.u32 v0, $0x3;
	v4 =	vshrl.u32 v0, $0xD;
	v1 =	vor.u32 v1, v2  }
0xd: {  	v62 =	vshll.u32 v0, $0x12;
	v60 =	vand.u32 $0x3FF, v3;
	v61 =	vand.u32 $0xFF, v4  }
0xe: {  	v0 =	vand.u32 $0x1C0000, v62;
	v2 =	vsel vm1, $0xFFFFFFFF, v60;
	v3 =	vsel vm1, $0xFFFFFFFF, v61  }
0xf: {  	v0 =	vsel vm1, $0xFFFC0000, v0;
	v63 =	vand.u32 $0x7F, v3;
	v5 =	vshll.u32 v2, $0x8  }
0x10: {  	v3 =	vshll.u32 v3, $0x3;
	v5 =	vand.u32 $0xFFFFF800, v5;
	v0 =	vor.u32 v0, v63  }
0x11: {  	v2 =	vshll.u32 v2, $0x7;
	v3 =	vand.u32 $0xFFFFFC00, v3;
	v0 =	vadd.s32 v5, v0  }
0x12: {  	v2 =	vand.u32 $0x380, v2;
	v0 =	vadd.s32 v3, v0  }
0x13: {  	v0 =	vor.u32 v2, v0;
	_ =	sdelay $0x1  }
0x14: {  	(ifvalue) =	ssetifvalue $0x7FFFFFFF;
	s14 =	sadd.s32 $0x10, s14  }
0x15: {  	[tilespmem:s14], [sflag:$0x1] =	stream.indirect_vreg.gather [hbm4b:s3+s10], $0x1, v1, vm0, $0x4038;
	[tilespmem:$0x800] =	vst v63  }
0x16: {  	(ifvalue) =	ssetifvalue $0x7FFFFFFF;
	s14 =	sadd.s32 $0x10, s14  }
0x17: {  	[tilespmem:s14], [sflag:$0x1] =	stream.indirect_vreg.gather [hbm4b:s3+s10], $0x1, v0, vm0, $0x4038;
	[tilespmem:$0x800] =	vst v63  }
0x18: {  	_ =	swait.ge [sflag:s6], $0x200  }
0x19: {  	s30 =	sshrl.u32 s13, $0x3;
	[sflag:s6] =	ssyncset.done $0x0  }
0x1a: {  	s31 =	sand.u32 $0x7, s13;
	s14 =	sadd.s32 s5, s30;
	[sflag:s6] =	ssyncadd.s32 $0xFFFFFE00  }
0x1b: {  	[hbm4b:s14+s31] =	stream.linear.scatter [tilespmem:s15], [sflag:$0x3], $0x200, $0x38;
	[tilespmem:$0x800] =	vst v63  }
.LBB2_5:
0x1c: {  	s15 =	sadd.s32 $0x4000, s11  }
0x1d: {  	p2 =	sgt.s32 s15, $0x5FFF  }
0x1e: {  	s15 =	smov.u32 @p2 s2;
	p2 =	sne.s32 s12, s9  }
.Ltmp1:
0x1f: {  	p1 =	slt.u32 s12, $0x2;
	(pc) =	sbr.rel @!p2 .LBB2_6-.Ltmp1, $4  }
0x20: {  	s14 =	simm.s32 @!p1 $0x3  }
0x21: {  	s16 =	sadd.s32 $0x1, s12;
	_ =	swait.ge @!p1 [sflag:s14], $0x200  }
0x22: {  	s13 =	smov.u32 s11;
	p0 =	por !p0, !p0;
	[sflag:s14] =	ssyncset.done @!p1 $0x0  }
0x23: {  	s12 =	smov.u32 s16;
	s11 =	smov.u32 s15;
	[sflag:s14] =	ssyncadd.s32 @!p1 $0xFFFFFE00  }
.LBB2_1:
0x24: {  	p1 =	sge.u32 s12, s8  }
0x25: {  	s14 =	sxor.u32 @!p1 $0xFFFFFFFF, s12  }
0x26: {  	s31 =	sadd.s32 $0xFFFFFFFF, s12;
	s15 =	sshrl.u32 @!p1 s11, $0x3;
	s14 =	sshll.u32 @!p1 s14, $0x9  }
0x27: {  	s16 =	sand.u32 @!p1 $0x7, s11;
	s15 =	sadd.s32 @!p1 s4, s15;
	s14 =	sand.u32 @!p1 $0x200, s14  }
0x28: {  	[tilespmem:s14], [sflag:$0x2] =	stream.linear.gather @!p1 [hbm4b:s15+s16], $0x200, $0x38;
	[tilespmem:$0x800] =	vst v63  }
0x29: {  	p1 =	sge.u32 s31, s8  }
.Ltmp2:
0x2a: {  	_ = 	snop;
	(pc) =	sbr.rel @p1 .LBB2_5-.Ltmp2, $1  }
0x2b: {  	_ =	sdelay $0x3  }
0x2c: {  	s14 =	simm.s32 $0x1  }
0x2d: {  	_ =	swait.ge [sflag:s7], $0x200;
	s14 =	simm.s32 @!p0 $0x0  }
0x2e: {  	[sflag:s7] =	ssyncset.done $0x0;
	s14 =	sshll.u32 s14, $0x9  }
0x2f: {  	[sflag:s7] =	ssyncadd.s32 $0xFFFFFE00;
	(ifvalue) =	ssetifvalue $0x7FFFFFFF;
	v0 =	vld.msk [tilespmem:s14+$0x0 ss:$0x1], $0xffff;
	_ =	sdelay $0x4  }
0x30: {  	s15 =	sadd.s32 $0x10, s14;
	vm1 =	veq.s32 v0, $0x80000000;
	v1 =	vshrl.u32 v0, $0x3;
	v2 =	vshrl.u32 v0, $0xD  }
0x31: {  	v3 =	vld.msk [tilespmem:s15+$0x0 ss:$0x1], $0xffff;
	v0 =	vshll.u32 v0, $0x12;
	v1 =	vand.u32 $0x3FF, v1;
	v2 =	vand.u32 $0xFF, v2  }
0x32: {  	v0 =	vand.u32 $0x1C0000, v0;
	v1 =	vsel vm1, $0xFFFFFFFF, v1;
	v2 =	vsel vm1, $0xFFFFFFFF, v2  }
0x33: {  	v0 =	vsel vm1, $0xFFFC0000, v0;
	v4 =	vand.u32 $0x7F, v2;
	v5 =	vshll.u32 v1, $0x8  }
0x34: {  	v2 =	vshll.u32 v2, $0x3;
	v5 =	vand.u32 $0xFFFFF800, v5;
	v0 =	vor.u32 v0, v4  }
0x35: {  	v1 =	vshll.u32 v1, $0x7;
	v2 =	vand.u32 $0xFFFFFC00, v2;
	v0 =	vadd.s32 v5, v0  }
0x36: {  	v62 =	vshrl.u32 v3, $0xD;
	v1 =	vand.u32 $0x380, v1;
	v0 =	vadd.s32 v2, v0  }
0x37: {  	s17 =	sadd.s32 $0x10, s15;
	vm1 =	veq.s32 v3, $0x80000000;
	v2 =	vshrl.u32 v3, $0x3;
	v1 =	vor.u32 v1, v0  }
0x38: {  	v4 =	vand.u32 $0xFF, v62;
	v3 =	vshll.u32 v3, $0x12;
	v0 =	vld.msk [tilespmem:s17+$0x0 ss:$0x1], $0xffff;
	v2 =	vand.u32 $0x3FF, v2  }
0x39: {  	v4 =	vsel vm1, $0xFFFFFFFF, v4;
	v3 =	vand.u32 $0x1C0000, v3;
	v2 =	vsel vm1, $0xFFFFFFFF, v2  }
0x3a: {  	s31 =	sshll.u32 s12, $0x9;
	v63 =	vand.u32 $0x7F, v4;
	v3 =	vsel vm1, $0xFFFC0000, v3;
	v6 =	vshll.u32 v2, $0x8  }
0x3b: {  	s14 =	sor.u32 $0x400, s14;
	s15 =	sand.u32 $0x200, s31;
	v4 =	vshll.u32 v4, $0x3;
	(ifvalue) =	ssetifvalue $0x7FFFFFFF;
	v3 =	vor.u32 v3, v63;
	v6 =	vand.u32 $0xFFFFF800, v6  }
0x3c: {  	v4 =	vand.u32 $0xFFFFFC00, v4;
	[tilespmem:s14], [sflag:$0x1] =	stream.indirect_vreg.gather [hbm4b:s3+s10], $0x1, v1, vm0, $0x4038;
	v1 =	vshll.u32 v2, $0x7;
	v2 =	vadd.s32 v6, v3;
	[tilespmem:$0x800] =	vst v63  }
0x3d: {  	s16 =	simm.s32 $0x20;
	s15 =	sor.u32 $0x400, s15;
	s17 =	sadd.s32 $0x10, s17;
	vm1 =	veq.s32 v0, $0x80000000;
	v1 =	vand.u32 $0x380, v1;
	v2 =	vadd.s32 v4, v2  }
.LBB2_3:
0x3e: {  	v3 =	vld.msk [tilespmem:s17+$0x0 ss:$0x1], $0xffff;
	v4 =	vshrl.u32 v0, $0x3;
	v5 =	vshrl.u32 v0, $0xD;
	v1 =	vor.u32 v1, v2;
	s16 =	sadd.s32 $0x10, s16  }
0x3f: {  	v0 =	vshll.u32 v0, $0x12;
	v2 =	vand.u32 $0x3FF, v4;
	v4 =	vand.u32 $0xFF, v5;
	p1 =	slt.u32 s16, $0x1F0  }
.Ltmp3:
0x40: {  	v0 =	vand.u32 $0x1C0000, v0;
	v2 =	vsel vm1, $0xFFFFFFFF, v2;
	v4 =	vsel vm1, $0xFFFFFFFF, v4;
	(pc) =	sbr.rel @p1 .LBB2_3-.Ltmp3, $4  }
0x41: {  	v0 =	vsel vm1, $0xFFFC0000, v0;
	v5 =	vand.u32 $0x7F, v4;
	v6 =	vshll.u32 v2, $0x8  }
0x42: {  	s14 =	sadd.s32 $0x10, s14;
	v4 =	vshll.u32 v4, $0x3;
	v6 =	vand.u32 $0xFFFFF800, v6;
	v7 =	vor.u32 v0, v5;
	(ifvalue) =	ssetifvalue $0x7FFFFFFF  }
0x43: {  	v2 =	vshll.u32 v2, $0x7;
	v4 =	vand.u32 $0xFFFFFC00, v4;
	v5 =	vadd.s32 v6, v7;
	[tilespmem:s14], [sflag:$0x1] =	stream.indirect_vreg.gather [hbm4b:s3+s10], $0x1, v1, vm0, $0x4038;
	[tilespmem:$0x800] =	vst v63  }
0x44: {  	s17 =	sadd.s32 $0x10, s17;
	vm1 =	veq.s32 v3, $0x80000000;
	v1 =	vand.u32 $0x380, v2;
	v0 =	vmovc v3;
	v2 =	vadd.s32 v4, v5  }
.Ltmp4:
0x45: {  	_ = 	snop;
	(pc) =	sbr.rel .LBB2_4-.Ltmp4, $1  }
0x46: {  	_ =	sdelay $0x3  }
.LBB2_6:
0x47: {  	_ =	sfence.sel $0x180000  }
0x48: {  	s2 =	simm.s32 $0x2;
	[bflag:$0x0] =	sbarrier.arrive $0xFFFF  }
0x49: {  	s30 =	simm.s32 $0x3;
	[sflag:s2] =	ssyncpa.u1 $0x1  }
0x4a: {  	s31 =	simm.s32 $0x1;
	[sflag:s30] =	ssyncpa.u1 $0x1  }
0x4b: {  	[sflag:s31] =	ssyncpa.u1 $0x1  }
0x4c: {  	p0 =	sne.s32 s1, $0x0;
	_ =	strace $0x90000056  }
0x4d: {  	s0 =	sadd.s32 @!p0 $0x100000, s0;
	[bflag:$0x2] =	sbarrier.arrive $0xFFFF  }
0x4e: {  	[sflag:s0] =	ssyncadd.tile.s32 @!p0 $0x1;
	_ =	shalt  }
.Lfunc_end2:
_tile_overlayer_lowered:
.L_overlay_start_2:
0x4f: {  	(tag) =	ssettag $0x2  }
0x50: {  	s0 =	rddreg [dreg:$0x0];
	s2 =	stileid.u32  }
0x51: {  	s1 =	rddreg [dreg:$0x1];
	p0 =	sne.s32 s2, $0x0  }
0x52: {  	s3 =	rddreg [dreg:$0x2];
	[bflag:$0x3] =	sbarrier.arrive $0xFFFF;
	s2 =	simm.s32 @!p0 $0x1C01  }
0x53: {  	[timem:s3], [sflag:s2] =	dma.local @!p0 [hbm:s0], s1  }
0x54: {  	s0 =	simm.s32 @!p0 $0x1  }
0x55: {  	_ =	swait.ge @!p0 [sflag:s0], s1  }
0x56: {  	s1 =	ssub.s32 @!p0 $0x0, s1;
	[sflag:s0] =	ssyncset.done @!p0 $0x0  }
0x57: {  	[sflag:s0] =	ssyncadd.s32 @!p0 s1  }
0x58: {  	[bflag:$0x3] =	sbarrier.arrive $0xFFFF  }
0x59: {  	_ =	shalt  }

// kernel: gather_offload_async_start.5
scs
__scs_entry_jumppad:
0x0: {  	(pc) =	sbr.rel $0x88, $3  }
0x1: {  	(tag) =	ssettag $0x0;
	lr =	simm.s32 $0x1  }
0x2: {  	[smem:$0x3F16] =	sst lr;
	_ =	strace $0xD0000000  }
0x3: {  	_ = 	snop  }
0x4: {  	_ = 	snop  }
0x5: {  	_ = 	snop  }
0x6: {  	_ = 	snop  }
0x7: {  	_ = 	snop  }
__scs_overlays_trampoline_lowered:
0x8: {  	[smem:$0x3F25] =	sst s0  }
0x9: {  	[smem:$0x3F26] =	sst s1  }
0xa: {  	[smem:$0x3F27] =	sst s2  }
0xb: {  	[smem:$0x3F28] =	sst s3  }
0xc: {  	[smem:$0x3F29] =	sst s4  }
0xd: {  	[smem:$0x3F2A] =	sst s5  }
0xe: {  	[smem:$0x3F2B] =	sst s6  }
0xf: {  	[smem:$0x3F2C] =	sst s7  }
0x10: {  	[smem:$0x3F2D] =	sst s8  }
0x11: {  	[smem:$0x3F2E] =	sst s9;
	s0 =	simm.s32 @!p0 $0x0  }
0x12: {  	s1 =	sld [smem:$0x3F14];
	s0 =	simm.s32 @p0 $0x1  }
0x13: {  	[smem:$0x3F2F] =	sst s0;
	s0 =	simm.s32 @!p1 $0x0  }
0x14: {  	s2 =	sld [smem:$0x3F13];
	s0 =	simm.s32 @p1 $0x1  }
0x15: {  	[smem:$0x3F30] =	sst s0;
	s0 =	simm.s32 @!p2 $0x0  }
0x16: {  	s3 =	sld [smem:$0x3FDB];
	s0 =	simm.s32 @p2 $0x1  }
0x17: {  	s4 =	simm.s32 $0x1BF5;
	[smem:$0x3F32] =	sst s0  }
0x18: {  	s0 =	sld [smem:$0x3F15];
	_ =	swait.ge [sflag:s4], $0x0  }
0x19: {  	s7 =	sld [smem:$0x3F16]  }
0x1a: {  	s8 =	sadd.s32 $0xFFFFE003, lr  }
0x1b: {  	s9 =	sadd.s32 $0xFFFFFEF7, lr;
	s5 =	simm.s32 $0xFFFFFFFF;
	p2 =	slt.u32 s8, $0xFFFFF086  }
0x1c: {  	p1 =	slt.u32 s9, $0xF7A;
	s5 =	simm.s32 @!p2 $0x0  }
0x1d: {  	s5 =	simm.s32 @p1 $0x1;
	p0 =	seq.s32 s7, s2  }
0x1e: {  	s7 =	smul.u32 @!p0 $0xF7A, s2;
	p2 =	seq.s32 @!p0 s5, $0x0  }
0x1f: {  	s9 =	smul.u32 $0xF7A, s1;
	s8 =	simm.s32 @!p0 $0x1BF5;
	p2 =	por !p2, p0  }
0x20: {  	[sflag:s8] =	ssyncset.s32 @!p0 $0xFFFFF086;
	s6 =	sadd.s32 @!p0 s3, s7;
	s7 =	simm.s32 @!p0 $0x108  }
0x21: {  	s3 =	sadd.s32 s3, s9;
	s6 =	sadd.s32 @!p0 $0x88, s6;
	s7 =	simm.s32 @p2 $0x1082  }
0x22: {  	[simem:s7], [sflag:s8] =	dma.local @!p0 [hbm:s6], $0xF7A  }
0x23: {  	s9 =	sor.u32 $0xD0000000, s2;
	s6 =	simm.s32 $0x108;
	_ =	swait.ge @!p0 [sflag:s8], $0x0  }
0x24: {  	s3 =	sadd.s32 $0x88, s3;
	s6 =	simm.s32 @!p1 $0x1082;
	[sflag:s4] =	ssyncset.s32 $0xFFFFF086  }
0x25: {  	[simem:s6], [sflag:s4] =	dma.local [hbm:s3], $0xF7A  }
0x26: {  	[smem:$0x3F16] =	sst s1;
	(tag) =	ssettag s2;
	_ =	strace s9  }
0x27: {  	s1 =	sld [smem:$0x3F26]  }
0x28: {  	s2 =	sld [smem:$0x3F27]  }
0x29: {  	s4 =	sld [smem:$0x3F29]  }
0x2a: {  	p0 =	seq.s32 s5, $0x0;
	s5 =	sld [smem:$0x3F2A]  }
0x2b: {  	s6 =	sld [smem:$0x3F2B]  }
0x2c: {  	s7 =	sld [smem:$0x3F2C]  }
0x2d: {  	s3 =	simm.s32 $0x108;
	s8 =	sld [smem:$0x3F2D]  }
0x2e: {  	s3 =	simm.s32 @!p0 $0x1082;
	s9 =	sld [smem:$0x3F2E]  }
0x2f: {  	lr =	sadd.s32 s0, s3;
	s0 =	sld [smem:$0x3F25]  }
0x30: {  	s3 =	sld [smem:$0x3F28]  }
0x31: {  	[smem:$0x3F31] =	sst s10  }
0x32: {  	s10 =	sld [smem:$0x3F2F];
	_ =	sdelay $0x3  }
0x33: {  	p0 =	seq.s32 s10, $0x1;
	s10 =	sld [smem:$0x3F31];
	_ =	sdelay $0x3  }
0x34: {  	[smem:$0x3F31] =	sst s10  }
0x35: {  	s10 =	sld [smem:$0x3F30];
	_ =	sdelay $0x3  }
0x36: {  	p1 =	seq.s32 s10, $0x1;
	s10 =	sld [smem:$0x3F31];
	_ =	sdelay $0x3  }
0x37: {  	[smem:$0x3F31] =	sst s10  }
0x38: {  	s10 =	sld [smem:$0x3F32]  }
0x39: {  	_ = 	snop;
	(pc) =	sbr.ind lr, $3  }
0x3a: {  	_ = 	snop  }
0x3b: {  	_ = 	snop  }
0x3c: {  	p2 =	seq.s32 s10, $0x1;
	s10 =	sld [smem:$0x3F31]  }
0x3d: {  	_ =	shalt  }
0x3e: {  	_ =	shalt  }
0x3f: {  	_ =	shalt  }
0x40: {  	_ =	shalt  }
0x41: {  	_ =	shalt  }
0x42: {  	_ =	shalt  }
0x43: {  	_ =	shalt  }
0x44: {  	_ =	shalt  }
0x45: {  	_ =	shalt  }
0x46: {  	_ =	shalt  }
0x47: {  	_ =	shalt  }
0x48: {  	_ =	shalt  }
0x49: {  	_ =	shalt  }
0x4a: {  	_ =	shalt  }
0x4b: {  	_ =	shalt  }
0x4c: {  	_ =	shalt  }
0x4d: {  	_ =	shalt  }
0x4e: {  	_ =	shalt  }
0x4f: {  	_ =	shalt  }
0x50: {  	_ =	shalt  }
0x51: {  	_ =	shalt  }
0x52: {  	_ =	shalt  }
0x53: {  	_ =	shalt  }
0x54: {  	_ =	shalt  }
0x55: {  	_ =	shalt  }
0x56: {  	_ =	shalt  }
0x57: {  	_ =	shalt  }
0x58: {  	_ =	shalt  }
0x59: {  	_ =	shalt  }
0x5a: {  	_ =	shalt  }
0x5b: {  	_ =	shalt  }
0x5c: {  	_ =	shalt  }
0x5d: {  	_ =	shalt  }
0x5e: {  	_ =	shalt  }
0x5f: {  	_ =	shalt  }
0x60: {  	_ =	shalt  }
0x61: {  	_ =	shalt  }
0x62: {  	_ =	shalt  }
0x63: {  	_ =	shalt  }
0x64: {  	_ =	shalt  }
0x65: {  	_ =	shalt  }
0x66: {  	_ =	shalt  }
0x67: {  	_ =	shalt  }
0x68: {  	_ =	shalt  }
0x69: {  	_ =	shalt  }
0x6a: {  	_ =	shalt  }
0x6b: {  	_ =	shalt  }
0x6c: {  	_ =	shalt  }
0x6d: {  	_ =	shalt  }
0x6e: {  	_ =	shalt  }
0x6f: {  	_ =	shalt  }
0x70: {  	_ =	shalt  }
0x71: {  	_ =	shalt  }
0x72: {  	_ =	shalt  }
0x73: {  	_ =	shalt  }
0x74: {  	_ =	shalt  }
0x75: {  	_ =	shalt  }
0x76: {  	_ =	shalt  }
0x77: {  	_ =	shalt  }
0x78: {  	_ =	shalt  }
0x79: {  	_ =	shalt  }
0x7a: {  	_ =	shalt  }
0x7b: {  	_ =	shalt  }
0x7c: {  	_ =	shalt  }
0x7d: {  	_ =	shalt  }
0x7e: {  	_ =	shalt  }
0x7f: {  	_ =	shalt  }
0x80: {  	_ =	shalt  }
0x81: {  	_ =	shalt  }
0x82: {  	_ =	shalt  }
0x83: {  	_ =	shalt  }
0x84: {  	_ =	shalt  }
0x85: {  	_ =	shalt  }
0x86: {  	_ =	shalt  }
0x87: {  	_ =	shalt  }
.Lfunc_end0:
.L_simem_size_0:
called_computation.5_lowered:
.L_overlay_start_0:
0x88: {  	s2 =	sld [smem:$0x3FD9]  }
0x89: {  	s3 =	sld [smem:$0x3FFE];
	_ =	sdelay $0x1  }
0x8a: {  	s1 =	srdreg.scid  }
0x8b: {  	s0 =	sand.u32 $0x1, s1  }
0x8c: {  	s14 =	sshll.u32 s0, $0xA;
	s2 =	sadd.s32 s3, s2  }
0x8d: {  	s2 =	sadd.s32 s2, s14  }
0x8e: {  	[smem:$0x3F3D] =	sst s2  }
0x8f: {  	_ = 	snop  }
0x90: {  	s2 =	sld [smem:$0x3FD0];
	_ =	sdelay $0x2  }
0x91: {  	s15 =	simm.s32 $0xA;
	s4 =	simm.s32 $0x10  }
0x92: {  	[smem:s4], [sflag:s15] =	dma.local [hbm:s2], $0x1  }
0x93: {  	_ =	swait.eq [sflag:s15], $0x1  }
0x94: {  	[sflag:s15] =	ssyncset.done $0x0  }
0x95: {  	[sflag:s15] =	ssyncadd.s32 $0xFFFFFFFF  }
0x96: {  	s16 =	sld [smem:$0x11];
	(tm) =	ssettm $0x1  }
0x97: {  	s17 =	sld [smem:$0x3FFB];
	_ =	sdelay $0x3  }
0x98: {  	_ =	strace s17  }
0x99: {  	s3 =	sld [smem:$0x3FFC];
	_ =	sdelay $0x3  }
0x9a: {  	_ =	strace s3  }
0x9b: {  	s3 =	sld [smem:$0x3FFD];
	_ =	sdelay $0x3  }
0x9c: {  	_ =	strace s3  }
0x9d: {  	_ =	strace $0x8FFFFFFF  }
0x9e: {  	s18 =	sld [smem:$0x3FDB];
	_ =	sdelay $0x1  }
0x9f: {  	s19 =	simm.s32 $_scs_section_size  }
0xa0: {  	s5 =	simm.s32 $_size__tile_overlayer_lowered;
	s6 =	simm.s32 $_tile_overlayer_lowered  }
0xa1: {  	s22 =	simm.s32 $0x1BFF;
	s21 =	sshll.u32 s6, $0x1;
	s3 =	sadd.s32 s19, s18  }
0xa2: {  	s7 =	simm.s32 $0x0;
	s20 =	sshll.u32 s5, $0x1;
	s5 =	sadd.s32 s21, s3  }
0xa3: {  	[timem:s7], [sflag:s22] =	dma.local [hbm:s5], s20  }
0xa4: {  	_ =	swait.ge [sflag:s22], s20  }
0xa5: {  	s4 =	ssub.s32 $0x0, s20;
	[sflag:s22] =	ssyncset.done $0x0  }
0xa6: {  	[sflag:s22] =	ssyncadd.s32 s4;
	_ =	sdelay $0x1  }
0xa7: {  	s23 =	simm.s32 $0x1B8B  }
0xa8: {  	_ =	swait.ge [sflag:s23], $0x1  }
0xa9: {  	[sflag:s23] =	ssyncset.done $0x0  }
0xaa: {  	s25 =	simm.s32 $0x1B8E;
	s24 =	sld [smem:$0x3FFE];
	[sflag:s23] =	ssyncadd.s32 $0xFFFFFFFF  }
0xab: {  	s26 =	simm.s32 $execute0_lowered;
	[smem:$0x3FD2] =	sst s25  }
0xac: {  	s5 =	sshll.u32 s26, $0x1;
	_ =	strace $0x80000049;
	[dreg:$0x1] =	wrdreg $0xFFFFFFFF  }
0xad: {  	s28 =	simm.s32 $_size_execute0_lowered;
	s3 =	sadd.s32 s3, s5;
	[dreg:$0x0] =	wrdreg $0x0  }
0xae: {  	s5 =	sshll.u32 s28, $0x1;
	[dreg:$0x2] =	wrdreg s3  }
0xaf: {  	[dreg:$0x3] =	wrdreg s5  }
0xb0: {  	[dreg:$0x4] =	wrdreg $0xC0  }
0xb1: {  	_ =	task [dreg:s7], $0x5FFFF  }
0xb2: {  	[dreg:$0x1] =	wrdreg $0xFFFFFFFF  }
0xb3: {  	[dreg:$0x0] =	wrdreg $0x60  }
0xb4: {  	[dreg:$0x2] =	wrdreg s24  }
0xb5: {  	[dreg:$0x3] =	wrdreg s16  }
0xb6: {  	[dreg:$0x4] =	wrdreg $0x9  }
0xb7: {  	_ =	task.clear_ibuf [dreg:s7], $0x5FFFF;
	_ =	strace $0x90000049  }
0xb8: {  	s29 =	simm.s32 $0x9;
	_ =	strace $0x8000004B  }
0xb9: {  	_ =	swait.ge [sflag:s29], $0x1  }
0xba: {  	[sflag:s29] =	ssyncadd.s32 $0xFFFFFFFF  }
0xbb: {  	_ =	strace $0x9000004B  }
0xbc: {  	_ =	sfence  }
0xbd: {  	s30 =	sld [smem:$0x0];
	_ =	sdelay $0x2  }
0xbe: {  	s31 =	sshll.u32 s1, $0xD;
	s1 =	sshrl.u32 s1, $0x2  }
0xbf: {  	s3 =	sand.u32 $0x4000, s31;
	s1 =	sadd.s32 s1, s30  }
0xc0: {  	s0 =	sor.u32 s3, s0;
	s1 =	sshll.u32 s1, $0x11  }
0xc1: {  	s0 =	sor.u32 s1, s0  }
0xc2: {  	s0 =	sadd.s32 $0x8F2B, s0  }
0xc3: {  	[sflag:s0] =	ssyncadd.remote.s32 $0x1  }
0xc4: {  	_ =	sfence.sel $0xFFFF  }
0xc5: {  	[dreg:$0x0] =	wrdreg $0xFFFFFFFF;
	(pc) =	sbr.abs _section_cstart, $3  }
0xc6: {  	[dreg:$0x1] =	wrdreg $0xFFFFFFFF  }
0xc7: {  	_ =	task.clear_ibuf [dreg:s7], $0x2FFFF;
	_ =	strace $0x9FFFFFFF  }
0xc8: {  	(tm) =	ssettm $0x7FFFFFFF  }
0xc9: {  	_ =	shalt  }
tec
execute0_lowered:
.L_overlay_start_1:
0x0: {  	(tag) =	ssettag $0x1  }
0x1: {  	s5 =	rddreg [dreg:$0x0];
	s0 =	srdreg.scid  }
0x2: {  	s2 =	rddreg [dreg:$0x1];
	s1 =	stileid.u32;
	s6 =	simm.s32 $0x1  }
0x3: {  	s9 =	simm.s32 $0x1;
	s10 =	simm.s32 $0x3;
	s3 =	sshll.u32 s0, $0xB  }
0x4: {  	s13 =	simm.s32 $0x0;
	s4 =	sshll.u32 s1, $0xC;
	s3 =	sand.u32 $0x800, s3  }
0x5: {  	s0 =	rddreg [dreg:$0x2];
	_ =	strace $0x8000004A;
	s3 =	sor.u32 s4, s3  }
0x6: {  	s12 =	simm.s32 $0x0;
	[sflag:s6] =	ssyncpa.u1 $0x0;
	s8 =	ssub.s32 $0x18000, s3  }
.Ltmp0:
0x7: {  	s4 =	sadd.s32 $0x4E2600, s5;
	s7 =	sand.u32 $0xF800, s8;
	(pc) =	sbr.rel .LBB2_1-.Ltmp0, $4  }
0x8: {  	s5 =	sadd.s32 $0xB4400, s5;
	s11 =	smov.u32 s3;
	p0 =	sne.s32 s7, $0x0  }
0x9: {  	s8 =	sshrl.u32 s8, $0x10;
	s7 =	simm.s32 $0x2;
	s9 =	simm.s32 @!p0 $0x0  }
0xa: {  	[sflag:s7] =	ssyncpa.u1 $0x0;
	p0 =	por $0x0, $0x0;
	s8 =	sadd.s32 s9, s8  }
0xb: {  	vm0 =	vmmov $0xffff;
	[sflag:s10] =	ssyncpa.u1 $0x0;
	s10 =	simm.s32 $0x0;
	s9 =	sadd.s32 $0x1, s8  }
.LBB2_4:
0xc: {  	v3 =	vshrl.u32 v0, $0x3;
	v4 =	vshrl.u32 v0, $0xF;
	v1 =	vor.u32 v1, v2  }
0xd: {  	v62 =	vshll.u32 v0, $0x16;
	v60 =	vand.u32 $0xFFF, v3;
	v61 =	vand.u32 $0x3FF, v4  }
0xe: {  	v0 =	vand.u32 $0x1C00000, v62;
	v2 =	vsel vm1, $0xFFFFFFFF, v60;
	v3 =	vsel vm1, $0xFFFFFFFF, v61  }
0xf: {  	v0 =	vsel vm1, $0xFFC00000, v0;
	v63 =	vand.u32 $0x7F, v2;
	v5 =	vshll.u32 v3, $0xC  }
0x10: {  	v2 =	vshll.u32 v2, $0x3;
	v5 =	vand.u32 $0xFFFF8000, v5;
	v0 =	vor.u32 v0, v63  }
0x11: {  	v3 =	vshll.u32 v3, $0x7;
	v2 =	vand.u32 $0xFFFFFC00, v2;
	v0 =	vadd.s32 v5, v0  }
0x12: {  	v3 =	vand.u32 $0x380, v3;
	v0 =	vadd.s32 v2, v0  }
0x13: {  	v0 =	vor.u32 v3, v0;
	_ =	sdelay $0x1  }
0x14: {  	(ifvalue) =	ssetifvalue $0x7FFFFFFF;
	s14 =	sadd.s32 $0x10, s14  }
0x15: {  	[tilespmem:s14], [sflag:$0x1] =	stream.indirect_vreg.gather [hbm4b:s4+s10], $0x1, v1, vm0, $0x4038;
	[tilespmem:$0x2000] =	vst v63  }
0x16: {  	(ifvalue) =	ssetifvalue $0x7FFFFFFF;
	s14 =	sadd.s32 $0x10, s14  }
0x17: {  	[tilespmem:s14], [sflag:$0x1] =	stream.indirect_vreg.gather [hbm4b:s4+s10], $0x1, v0, vm0, $0x4038;
	[tilespmem:$0x2000] =	vst v63  }
0x18: {  	_ =	swait.ge [sflag:s6], $0x800  }
0x19: {  	s30 =	sshrl.u32 s13, $0x3;
	[sflag:s6] =	ssyncset.done $0x0  }
0x1a: {  	s31 =	sand.u32 $0x7, s13;
	s14 =	sadd.s32 s5, s30;
	[sflag:s6] =	ssyncadd.s32 $0xFFFFF800  }
0x1b: {  	[hbm4b:s14+s31] =	stream.linear.scatter [tilespmem:s15], [sflag:$0x3], $0x800, $0x38;
	[tilespmem:$0x2000] =	vst v63  }
.LBB2_5:
0x1c: {  	s15 =	sadd.s32 $0x10000, s11  }
0x1d: {  	p2 =	sgt.s32 s15, $0x17FFF  }
0x1e: {  	s15 =	smov.u32 @p2 s3;
	p2 =	sne.s32 s12, s9  }
.Ltmp1:
0x1f: {  	p1 =	slt.u32 s12, $0x2;
	(pc) =	sbr.rel @!p2 .LBB2_6-.Ltmp1, $4  }
0x20: {  	s14 =	simm.s32 @!p1 $0x3  }
0x21: {  	s16 =	sadd.s32 $0x1, s12;
	_ =	swait.ge @!p1 [sflag:s14], $0x800  }
0x22: {  	s13 =	smov.u32 s11;
	p0 =	por !p0, !p0;
	[sflag:s14] =	ssyncset.done @!p1 $0x0  }
0x23: {  	s12 =	smov.u32 s16;
	s11 =	smov.u32 s15;
	[sflag:s14] =	ssyncadd.s32 @!p1 $0xFFFFF800  }
.LBB2_1:
0x24: {  	p1 =	sge.u32 s12, s8  }
0x25: {  	s14 =	sxor.u32 @!p1 $0xFFFFFFFF, s12  }
0x26: {  	s31 =	sadd.s32 $0xFFFFFFFF, s12;
	s15 =	sshrl.u32 @!p1 s11, $0x3;
	s14 =	sshll.u32 @!p1 s14, $0xB  }
0x27: {  	s16 =	sand.u32 @!p1 $0x7, s11;
	s15 =	sadd.s32 @!p1 s2, s15;
	s14 =	sand.u32 @!p1 $0x800, s14  }
0x28: {  	[tilespmem:s14], [sflag:$0x2] =	stream.linear.gather @!p1 [hbm4b:s15+s16], $0x800, $0x38;
	[tilespmem:$0x2000] =	vst v63  }
0x29: {  	p1 =	sge.u32 s31, s8  }
.Ltmp2:
0x2a: {  	_ = 	snop;
	(pc) =	sbr.rel @p1 .LBB2_5-.Ltmp2, $1  }
0x2b: {  	_ =	sdelay $0x3  }
0x2c: {  	s14 =	simm.s32 $0x1  }
0x2d: {  	_ =	swait.ge [sflag:s7], $0x800;
	s14 =	simm.s32 @!p0 $0x0  }
0x2e: {  	[sflag:s7] =	ssyncset.done $0x0;
	s14 =	sshll.u32 s14, $0xB  }
0x2f: {  	[sflag:s7] =	ssyncadd.s32 $0xFFFFF800;
	(ifvalue) =	ssetifvalue $0x7FFFFFFF;
	v0 =	vld.msk [tilespmem:s14+$0x0 ss:$0x1], $0xffff;
	_ =	sdelay $0x4  }
0x30: {  	s15 =	sadd.s32 $0x10, s14;
	vm1 =	veq.s32 v0, $0x80000000;
	v1 =	vshrl.u32 v0, $0x3;
	v2 =	vshrl.u32 v0, $0xF  }
0x31: {  	v3 =	vld.msk [tilespmem:s15+$0x0 ss:$0x1], $0xffff;
	v0 =	vshll.u32 v0, $0x16;
	v1 =	vand.u32 $0xFFF, v1;
	v2 =	vand.u32 $0x3FF, v2  }
0x32: {  	v0 =	vand.u32 $0x1C00000, v0;
	v1 =	vsel vm1, $0xFFFFFFFF, v1;
	v2 =	vsel vm1, $0xFFFFFFFF, v2  }
0x33: {  	v0 =	vsel vm1, $0xFFC00000, v0;
	v4 =	vand.u32 $0x7F, v1;
	v5 =	vshll.u32 v2, $0xC  }
0x34: {  	v1 =	vshll.u32 v1, $0x3;
	v5 =	vand.u32 $0xFFFF8000, v5;
	v0 =	vor.u32 v0, v4  }
0x35: {  	v2 =	vshll.u32 v2, $0x7;
	v1 =	vand.u32 $0xFFFFFC00, v1;
	v0 =	vadd.s32 v5, v0  }
0x36: {  	v62 =	vshrl.u32 v3, $0xF;
	v2 =	vand.u32 $0x380, v2;
	v0 =	vadd.s32 v1, v0  }
0x37: {  	s17 =	sadd.s32 $0x10, s15;
	vm1 =	veq.s32 v3, $0x80000000;
	v1 =	vor.u32 v2, v0;
	v2 =	vshrl.u32 v3, $0x3  }
0x38: {  	v4 =	vand.u32 $0x3FF, v62;
	v0 =	vld.msk [tilespmem:s17+$0x0 ss:$0x1], $0xffff;
	v3 =	vshll.u32 v3, $0x16;
	v2 =	vand.u32 $0xFFF, v2  }
0x39: {  	v4 =	vsel vm1, $0xFFFFFFFF, v4;
	v3 =	vand.u32 $0x1C00000, v3;
	v2 =	vsel vm1, $0xFFFFFFFF, v2  }
0x3a: {  	s31 =	sshll.u32 s12, $0xB;
	v6 =	vshll.u32 v4, $0xC;
	v3 =	vsel vm1, $0xFFC00000, v3;
	v63 =	vand.u32 $0x7F, v2  }
0x3b: {  	s14 =	sor.u32 $0x1000, s14;
	s15 =	sand.u32 $0x800, s31;
	(ifvalue) =	ssetifvalue $0x7FFFFFFF;
	v6 =	vand.u32 $0xFFFF8000, v6;
	v2 =	vshll.u32 v2, $0x3;
	v3 =	vor.u32 v3, v63  }
0x3c: {  	v2 =	vand.u32 $0xFFFFFC00, v2;
	[tilespmem:s14], [sflag:$0x1] =	stream.indirect_vreg.gather [hbm4b:s4+s10], $0x1, v1, vm0, $0x4038;
	v1 =	vshll.u32 v4, $0x7;
	v3 =	vadd.s32 v6, v3;
	[tilespmem:$0x2000] =	vst v63  }
0x3d: {  	s16 =	simm.s32 $0x20;
	s15 =	sor.u32 $0x1000, s15;
	s17 =	sadd.s32 $0x10, s17;
	vm1 =	veq.s32 v0, $0x80000000;
	v1 =	vand.u32 $0x380, v1;
	v2 =	vadd.s32 v2, v3  }
.LBB2_3:
0x3e: {  	v3 =	vld.msk [tilespmem:s17+$0x0 ss:$0x1], $0xffff;
	v4 =	vshrl.u32 v0, $0x3;
	v5 =	vshrl.u32 v0, $0xF;
	v1 =	vor.u32 v1, v2;
	s16 =	sadd.s32 $0x10, s16  }
0x3f: {  	v0 =	vshll.u32 v0, $0x16;
	v2 =	vand.u32 $0xFFF, v4;
	v4 =	vand.u32 $0x3FF, v5;
	p1 =	slt.u32 s16, $0x7F0  }
.Ltmp3:
0x40: {  	v0 =	vand.u32 $0x1C00000, v0;
	v2 =	vsel vm1, $0xFFFFFFFF, v2;
	v4 =	vsel vm1, $0xFFFFFFFF, v4;
	(pc) =	sbr.rel @p1 .LBB2_3-.Ltmp3, $4  }
0x41: {  	v0 =	vsel vm1, $0xFFC00000, v0;
	v5 =	vand.u32 $0x7F, v2;
	v6 =	vshll.u32 v4, $0xC  }
0x42: {  	s14 =	sadd.s32 $0x10, s14;
	v2 =	vshll.u32 v2, $0x3;
	v6 =	vand.u32 $0xFFFF8000, v6;
	v7 =	vor.u32 v0, v5;
	(ifvalue) =	ssetifvalue $0x7FFFFFFF  }
0x43: {  	v4 =	vshll.u32 v4, $0x7;
	v2 =	vand.u32 $0xFFFFFC00, v2;
	v5 =	vadd.s32 v6, v7;
	[tilespmem:s14], [sflag:$0x1] =	stream.indirect_vreg.gather [hbm4b:s4+s10], $0x1, v1, vm0, $0x4038;
	[tilespmem:$0x2000] =	vst v63  }
0x44: {  	s17 =	sadd.s32 $0x10, s17;
	vm1 =	veq.s32 v3, $0x80000000;
	v1 =	vand.u32 $0x380, v4;
	v0 =	vmovc v3;
	v2 =	vadd.s32 v2, v5  }
.Ltmp4:
0x45: {  	_ = 	snop;
	(pc) =	sbr.rel .LBB2_4-.Ltmp4, $1  }
0x46: {  	_ =	sdelay $0x3  }
.LBB2_6:
0x47: {  	_ =	sfence.sel $0x180000  }
0x48: {  	s2 =	simm.s32 $0x2;
	[bflag:$0x0] =	sbarrier.arrive $0xFFFF  }
0x49: {  	s30 =	simm.s32 $0x3;
	[sflag:s2] =	ssyncpa.u1 $0x1  }
0x4a: {  	s31 =	simm.s32 $0x1;
	[sflag:s30] =	ssyncpa.u1 $0x1  }
0x4b: {  	[sflag:s31] =	ssyncpa.u1 $0x1  }
0x4c: {  	p0 =	sne.s32 s1, $0x0;
	_ =	strace $0x9000004A  }
0x4d: {  	s0 =	sadd.s32 @!p0 $0x100000, s0;
	[bflag:$0x2] =	sbarrier.arrive $0xFFFF  }
0x4e: {  	[sflag:s0] =	ssyncadd.tile.s32 @!p0 $0x1;
	_ =	shalt  }
.Lfunc_end2:
_tile_overlayer_lowered:
.L_overlay_start_2:
0x4f: {  	(tag) =	ssettag $0x2  }
0x50: {  	s0 =	rddreg [dreg:$0x0];
	s2 =	stileid.u32  }
0x51: {  	s1 =	rddreg [dreg:$0x1];
	p0 =	sne.s32 s2, $0x0  }
0x52: {  	s3 =	rddreg [dreg:$0x2];
	[bflag:$0x3] =	sbarrier.arrive $0xFFFF;
	s2 =	simm.s32 @!p0 $0x1C01  }
0x53: {  	[timem:s3], [sflag:s2] =	dma.local @!p0 [hbm:s0], s1  }
0x54: {  	s0 =	simm.s32 @!p0 $0x1  }
0x55: {  	_ =	swait.ge @!p0 [sflag:s0], s1  }
0x56: {  	s1 =	ssub.s32 @!p0 $0x0, s1;
	[sflag:s0] =	ssyncset.done @!p0 $0x0  }
0x57: {  	[sflag:s0] =	ssyncadd.s32 @!p0 s1  }
0x58: {  	[bflag:$0x3] =	sbarrier.arrive $0xFFFF  }
0x59: {  	_ =	shalt  }

// kernel: gather_offload_async_start
scs
__scs_entry_jumppad:
0x0: {  	(pc) =	sbr.rel $0x88, $3  }
0x1: {  	(tag) =	ssettag $0x0;
	lr =	simm.s32 $0x1  }
0x2: {  	[smem:$0x3F16] =	sst lr;
	_ =	strace $0xD0000000  }
0x3: {  	_ = 	snop  }
0x4: {  	_ = 	snop  }
0x5: {  	_ = 	snop  }
0x6: {  	_ = 	snop  }
0x7: {  	_ = 	snop  }
__scs_overlays_trampoline_lowered:
0x8: {  	[smem:$0x3F25] =	sst s0  }
0x9: {  	[smem:$0x3F26] =	sst s1  }
0xa: {  	[smem:$0x3F27] =	sst s2  }
0xb: {  	[smem:$0x3F28] =	sst s3  }
0xc: {  	[smem:$0x3F29] =	sst s4  }
0xd: {  	[smem:$0x3F2A] =	sst s5  }
0xe: {  	[smem:$0x3F2B] =	sst s6  }
0xf: {  	[smem:$0x3F2C] =	sst s7  }
0x10: {  	[smem:$0x3F2D] =	sst s8  }
0x11: {  	[smem:$0x3F2E] =	sst s9;
	s0 =	simm.s32 @!p0 $0x0  }
0x12: {  	s1 =	sld [smem:$0x3F14];
	s0 =	simm.s32 @p0 $0x1  }
0x13: {  	[smem:$0x3F2F] =	sst s0;
	s0 =	simm.s32 @!p1 $0x0  }
0x14: {  	s2 =	sld [smem:$0x3F13];
	s0 =	simm.s32 @p1 $0x1  }
0x15: {  	[smem:$0x3F30] =	sst s0;
	s0 =	simm.s32 @!p2 $0x0  }
0x16: {  	s3 =	sld [smem:$0x3FDB];
	s0 =	simm.s32 @p2 $0x1  }
0x17: {  	s4 =	simm.s32 $0x1BF5;
	[smem:$0x3F32] =	sst s0  }
0x18: {  	s0 =	sld [smem:$0x3F15];
	_ =	swait.ge [sflag:s4], $0x0  }
0x19: {  	s7 =	sld [smem:$0x3F16]  }
0x1a: {  	s8 =	sadd.s32 $0xFFFFE003, lr  }
0x1b: {  	s9 =	sadd.s32 $0xFFFFFEF7, lr;
	s5 =	simm.s32 $0xFFFFFFFF;
	p2 =	slt.u32 s8, $0xFFFFF086  }
0x1c: {  	p1 =	slt.u32 s9, $0xF7A;
	s5 =	simm.s32 @!p2 $0x0  }
0x1d: {  	s5 =	simm.s32 @p1 $0x1;
	p0 =	seq.s32 s7, s2  }
0x1e: {  	s7 =	smul.u32 @!p0 $0xF7A, s2;
	p2 =	seq.s32 @!p0 s5, $0x0  }
0x1f: {  	s9 =	smul.u32 $0xF7A, s1;
	s8 =	simm.s32 @!p0 $0x1BF5;
	p2 =	por !p2, p0  }
0x20: {  	[sflag:s8] =	ssyncset.s32 @!p0 $0xFFFFF086;
	s6 =	sadd.s32 @!p0 s3, s7;
	s7 =	simm.s32 @!p0 $0x108  }
0x21: {  	s3 =	sadd.s32 s3, s9;
	s6 =	sadd.s32 @!p0 $0x88, s6;
	s7 =	simm.s32 @p2 $0x1082  }
0x22: {  	[simem:s7], [sflag:s8] =	dma.local @!p0 [hbm:s6], $0xF7A  }
0x23: {  	s9 =	sor.u32 $0xD0000000, s2;
	s6 =	simm.s32 $0x108;
	_ =	swait.ge @!p0 [sflag:s8], $0x0  }
0x24: {  	s3 =	sadd.s32 $0x88, s3;
	s6 =	simm.s32 @!p1 $0x1082;
	[sflag:s4] =	ssyncset.s32 $0xFFFFF086  }
0x25: {  	[simem:s6], [sflag:s4] =	dma.local [hbm:s3], $0xF7A  }
0x26: {  	[smem:$0x3F16] =	sst s1;
	(tag) =	ssettag s2;
	_ =	strace s9  }
0x27: {  	s1 =	sld [smem:$0x3F26]  }
0x28: {  	s2 =	sld [smem:$0x3F27]  }
0x29: {  	s4 =	sld [smem:$0x3F29]  }
0x2a: {  	p0 =	seq.s32 s5, $0x0;
	s5 =	sld [smem:$0x3F2A]  }
0x2b: {  	s6 =	sld [smem:$0x3F2B]  }
0x2c: {  	s7 =	sld [smem:$0x3F2C]  }
0x2d: {  	s3 =	simm.s32 $0x108;
	s8 =	sld [smem:$0x3F2D]  }
0x2e: {  	s3 =	simm.s32 @!p0 $0x1082;
	s9 =	sld [smem:$0x3F2E]  }
0x2f: {  	lr =	sadd.s32 s0, s3;
	s0 =	sld [smem:$0x3F25]  }
0x30: {  	s3 =	sld [smem:$0x3F28]  }
0x31: {  	[smem:$0x3F31] =	sst s10  }
0x32: {  	s10 =	sld [smem:$0x3F2F];
	_ =	sdelay $0x3  }
0x33: {  	p0 =	seq.s32 s10, $0x1;
	s10 =	sld [smem:$0x3F31];
	_ =	sdelay $0x3  }
0x34: {  	[smem:$0x3F31] =	sst s10  }
0x35: {  	s10 =	sld [smem:$0x3F30];
	_ =	sdelay $0x3  }
0x36: {  	p1 =	seq.s32 s10, $0x1;
	s10 =	sld [smem:$0x3F31];
	_ =	sdelay $0x3  }
0x37: {  	[smem:$0x3F31] =	sst s10  }
0x38: {  	s10 =	sld [smem:$0x3F32]  }
0x39: {  	_ = 	snop;
	(pc) =	sbr.ind lr, $3  }
0x3a: {  	_ = 	snop  }
0x3b: {  	_ = 	snop  }
0x3c: {  	p2 =	seq.s32 s10, $0x1;
	s10 =	sld [smem:$0x3F31]  }
0x3d: {  	_ =	shalt  }
0x3e: {  	_ =	shalt  }
0x3f: {  	_ =	shalt  }
0x40: {  	_ =	shalt  }
0x41: {  	_ =	shalt  }
0x42: {  	_ =	shalt  }
0x43: {  	_ =	shalt  }
0x44: {  	_ =	shalt  }
0x45: {  	_ =	shalt  }
0x46: {  	_ =	shalt  }
0x47: {  	_ =	shalt  }
0x48: {  	_ =	shalt  }
0x49: {  	_ =	shalt  }
0x4a: {  	_ =	shalt  }
0x4b: {  	_ =	shalt  }
0x4c: {  	_ =	shalt  }
0x4d: {  	_ =	shalt  }
0x4e: {  	_ =	shalt  }
0x4f: {  	_ =	shalt  }
0x50: {  	_ =	shalt  }
0x51: {  	_ =	shalt  }
0x52: {  	_ =	shalt  }
0x53: {  	_ =	shalt  }
0x54: {  	_ =	shalt  }
0x55: {  	_ =	shalt  }
0x56: {  	_ =	shalt  }
0x57: {  	_ =	shalt  }
0x58: {  	_ =	shalt  }
0x59: {  	_ =	shalt  }
0x5a: {  	_ =	shalt  }
0x5b: {  	_ =	shalt  }
0x5c: {  	_ =	shalt  }
0x5d: {  	_ =	shalt  }
0x5e: {  	_ =	shalt  }
0x5f: {  	_ =	shalt  }
0x60: {  	_ =	shalt  }
0x61: {  	_ =	shalt  }
0x62: {  	_ =	shalt  }
0x63: {  	_ =	shalt  }
0x64: {  	_ =	shalt  }
0x65: {  	_ =	shalt  }
0x66: {  	_ =	shalt  }
0x67: {  	_ =	shalt  }
0x68: {  	_ =	shalt  }
0x69: {  	_ =	shalt  }
0x6a: {  	_ =	shalt  }
0x6b: {  	_ =	shalt  }
0x6c: {  	_ =	shalt  }
0x6d: {  	_ =	shalt  }
0x6e: {  	_ =	shalt  }
0x6f: {  	_ =	shalt  }
0x70: {  	_ =	shalt  }
0x71: {  	_ =	shalt  }
0x72: {  	_ =	shalt  }
0x73: {  	_ =	shalt  }
0x74: {  	_ =	shalt  }
0x75: {  	_ =	shalt  }
0x76: {  	_ =	shalt  }
0x77: {  	_ =	shalt  }
0x78: {  	_ =	shalt  }
0x79: {  	_ =	shalt  }
0x7a: {  	_ =	shalt  }
0x7b: {  	_ =	shalt  }
0x7c: {  	_ =	shalt  }
0x7d: {  	_ =	shalt  }
0x7e: {  	_ =	shalt  }
0x7f: {  	_ =	shalt  }
0x80: {  	_ =	shalt  }
0x81: {  	_ =	shalt  }
0x82: {  	_ =	shalt  }
0x83: {  	_ =	shalt  }
0x84: {  	_ =	shalt  }
0x85: {  	_ =	shalt  }
0x86: {  	_ =	shalt  }
0x87: {  	_ =	shalt  }
.Lfunc_end0:
.L_simem_size_0:
called_computation_lowered:
.L_overlay_start_0:
0x88: {  	s2 =	sld [smem:$0x3FD9]  }
0x89: {  	s3 =	sld [smem:$0x3FFE];
	_ =	sdelay $0x1  }
0x8a: {  	s1 =	srdreg.scid  }
0x8b: {  	s0 =	sand.u32 $0x1, s1  }
0x8c: {  	s14 =	sshll.u32 s0, $0xA;
	s2 =	sadd.s32 s3, s2  }
0x8d: {  	s2 =	sadd.s32 s2, s14  }
0x8e: {  	[smem:$0x3F3D] =	sst s2  }
0x8f: {  	_ = 	snop  }
0x90: {  	s2 =	sld [smem:$0x3FD0];
	_ =	sdelay $0x2  }
0x91: {  	s15 =	simm.s32 $0xA;
	s4 =	simm.s32 $0x10  }
0x92: {  	[smem:s4], [sflag:s15] =	dma.local [hbm:s2], $0x1  }
0x93: {  	_ =	swait.eq [sflag:s15], $0x1  }
0x94: {  	[sflag:s15] =	ssyncset.done $0x0  }
0x95: {  	[sflag:s15] =	ssyncadd.s32 $0xFFFFFFFF  }
0x96: {  	s16 =	sld [smem:$0x10];
	(tm) =	ssettm $0x1  }
0x97: {  	s17 =	sld [smem:$0x3FFB];
	_ =	sdelay $0x3  }
0x98: {  	_ =	strace s17  }
0x99: {  	s3 =	sld [smem:$0x3FFC];
	_ =	sdelay $0x3  }
0x9a: {  	_ =	strace s3  }
0x9b: {  	s3 =	sld [smem:$0x3FFD];
	_ =	sdelay $0x3  }
0x9c: {  	_ =	strace s3  }
0x9d: {  	_ =	strace $0x8FFFFFFF  }
0x9e: {  	s18 =	sld [smem:$0x3FDB];
	_ =	sdelay $0x1  }
0x9f: {  	s19 =	simm.s32 $_scs_section_size  }
0xa0: {  	s5 =	simm.s32 $_size__tile_overlayer_lowered;
	s6 =	simm.s32 $_tile_overlayer_lowered  }
0xa1: {  	s22 =	simm.s32 $0x1BFF;
	s21 =	sshll.u32 s6, $0x1;
	s3 =	sadd.s32 s19, s18  }
0xa2: {  	s7 =	simm.s32 $0x0;
	s20 =	sshll.u32 s5, $0x1;
	s5 =	sadd.s32 s21, s3  }
0xa3: {  	[timem:s7], [sflag:s22] =	dma.local [hbm:s5], s20  }
0xa4: {  	_ =	swait.ge [sflag:s22], s20  }
0xa5: {  	s4 =	ssub.s32 $0x0, s20;
	[sflag:s22] =	ssyncset.done $0x0  }
0xa6: {  	[sflag:s22] =	ssyncadd.s32 s4;
	_ =	sdelay $0x1  }
0xa7: {  	s23 =	simm.s32 $0x1B8B  }
0xa8: {  	_ =	swait.ge [sflag:s23], $0x1  }
0xa9: {  	[sflag:s23] =	ssyncset.done $0x0  }
0xaa: {  	s25 =	simm.s32 $0x1B8E;
	s24 =	sld [smem:$0x3FFE];
	[sflag:s23] =	ssyncadd.s32 $0xFFFFFFFF  }
0xab: {  	s26 =	simm.s32 $execute0_lowered;
	[smem:$0x3FD2] =	sst s25  }
0xac: {  	s5 =	sshll.u32 s26, $0x1;
	_ =	strace $0x80000046;
	[dreg:$0x1] =	wrdreg $0xFFFFFFFF  }
0xad: {  	s28 =	simm.s32 $_size_execute0_lowered;
	s3 =	sadd.s32 s3, s5;
	[dreg:$0x0] =	wrdreg $0x0  }
0xae: {  	s5 =	sshll.u32 s28, $0x1;
	[dreg:$0x2] =	wrdreg s3  }
0xaf: {  	[dreg:$0x3] =	wrdreg s5  }
0xb0: {  	[dreg:$0x4] =	wrdreg $0xC0  }
0xb1: {  	_ =	task [dreg:s7], $0x5FFFF  }
0xb2: {  	[dreg:$0x1] =	wrdreg $0xFFFFFFFF  }
0xb3: {  	[dreg:$0x0] =	wrdreg $0x60  }
0xb4: {  	[dreg:$0x2] =	wrdreg s24  }
0xb5: {  	[dreg:$0x3] =	wrdreg s16  }
0xb6: {  	[dreg:$0x4] =	wrdreg $0x9  }
0xb7: {  	_ =	task.clear_ibuf [dreg:s7], $0x5FFFF;
	_ =	strace $0x90000046  }
0xb8: {  	s29 =	simm.s32 $0x9;
	_ =	strace $0x80000048  }
0xb9: {  	_ =	swait.ge [sflag:s29], $0x1  }
0xba: {  	[sflag:s29] =	ssyncadd.s32 $0xFFFFFFFF  }
0xbb: {  	_ =	strace $0x90000048  }
0xbc: {  	_ =	sfence  }
0xbd: {  	s30 =	sld [smem:$0x0];
	_ =	sdelay $0x2  }
0xbe: {  	s31 =	sshll.u32 s1, $0xD;
	s1 =	sshrl.u32 s1, $0x2  }
0xbf: {  	s3 =	sand.u32 $0x4000, s31;
	s1 =	sadd.s32 s1, s30  }
0xc0: {  	s0 =	sor.u32 s3, s0;
	s1 =	sshll.u32 s1, $0x11  }
0xc1: {  	s0 =	sor.u32 s1, s0  }
0xc2: {  	s0 =	sadd.s32 $0x8F2B, s0  }
0xc3: {  	[sflag:s0] =	ssyncadd.remote.s32 $0x1  }
0xc4: {  	_ =	sfence.sel $0xFFFF  }
0xc5: {  	[dreg:$0x0] =	wrdreg $0xFFFFFFFF;
	(pc) =	sbr.abs _section_cstart, $3  }
0xc6: {  	[dreg:$0x1] =	wrdreg $0xFFFFFFFF  }
0xc7: {  	_ =	task.clear_ibuf [dreg:s7], $0x2FFFF;
	_ =	strace $0x9FFFFFFF  }
0xc8: {  	(tm) =	ssettm $0x7FFFFFFF  }
0xc9: {  	_ =	shalt  }
tec
execute0_lowered:
.L_overlay_start_1:
0x0: {  	(tag) =	ssettag $0x1  }
0x1: {  	s7 =	rddreg [dreg:$0x0]  }
0x2: {  	s2 =	rddreg [dreg:$0x1]  }
0x3: {  	s0 =	rddreg [dreg:$0x2]  }
0x4: {  	s1 =	srdreg.scid;
	_ =	strace $0x80000047;
	s4 =	simm.s32 $0x1  }
0x5: {  	s9 =	simm.s32 $0x3;
	s12 =	simm.s32 $0x0;
	s5 =	sshll.u32 s1, $0x4  }
.Ltmp0:
0x6: {  	s1 =	stileid.u32;
	s5 =	sand.u32 $0x10, s5;
	(pc) =	sbr.rel .LBB2_1-.Ltmp0, $4  }
0x7: {  	s10 =	simm.s32 $0x0;
	s3 =	sadd.s32 $0x200, s7;
	s6 =	sor.u32 s1, s5  }
0x8: {  	[sflag:s4] =	ssyncpa.u1 $0x0;
	s5 =	simm.s32 $0x2;
	s6 =	sshll.u32 s6, $0x8  }
0x9: {  	s7 =	sadd.s32 $0x80200, s7;
	[sflag:s5] =	ssyncpa.u1 $0x0;
	s8 =	sadd.s32 $0x100, s6  }
0xa: {  	vm0 =	vmmov $0xff;
	vm1 =	vcmask $0x3F20;
	[sflag:s9] =	ssyncpa.u1 $0x0;
	s9 =	simm.s32 $0x100;
	s11 =	smov.u32 s6  }
.LBB2_9:
0xb: {  	p0 =	seq.s32 s10, $0x2  }
.Ltmp1:
0xc: {  	_ = 	snop;
	(pc) =	sbr.rel @p0 .LBB2_11-.Ltmp1, $1  }
0xd: {  	_ =	sdelay $0x3  }
.LBB2_10:
0xe: {  	s12 =	sadd.s32 $0x100, s11  }
0xf: {  	s13 =	smov.u32 s6;
	p0 =	slt.s32 s12, s8  }
0x10: {  	s13 =	smov.u32 @p0 s12  }
0x11: {  	s10 =	sadd.s32 $0x1, s10;
	s12 =	smov.u32 s11;
	s11 =	smov.u32 s13  }
.LBB2_1:
0x12: {  	p0 =	sne.s32 s10, $0x0  }
.Ltmp2:
0x13: {  	_ = 	snop;
	(pc) =	sbr.rel @!p0 .LBB2_2-.Ltmp2, $1  }
0x14: {  	_ =	sdelay $0x3  }
0x15: {  	s13 =	sand.u32 $0x1, s10  }
0x16: {  	p0 =	seq.s32 s13, $0x0  }
.Ltmp3:
0x17: {  	_ = 	snop;
	(pc) =	sbr.rel @p0 .LBB2_9-.Ltmp3, $1  }
0x18: {  	_ =	sdelay $0x3  }
0x19: {  	_ =	swait.ge [sflag:s5], $0x100  }
0x1a: {  	[sflag:s5] =	ssyncset.done $0x0  }
0x1b: {  	s13 =	simm.s32 $0x0;
	[sflag:s5] =	ssyncadd.s32 $0xFFFFFF00  }
0x1c: {  	v0 =	vld.msk [tilespmem:s13+$0x100 ss:$0x1], $0xffff;
	_ =	sdelay $0x4  }
0x1d: {  	v1 =	vshll.u32 v0, $0x4  }
0x1e: {  	vm2 =	veq.s32 v0, $0x80000000;
	v0 =	vshll.u32 v0, $0x13;
	v1 =	vand.u32 $0x7FF80, v1  }
0x1f: {  	v0 =	vand.u32 $0x380000, v0;
	v1 =	vsel vm2, $0xFFFFFF80, v1  }
0x20: {  	v0 =	vsel vm2, $0xFFF80000, v0;
	v2 =	vand.u32 $0xFFFFFC00, v1  }
0x21: {  	v1 =	vand.u32 $0x380, v1;
	v0 =	vadd.s32 v0, v2  }
0x22: {  	v0 =	vor.u32 v1, v0  }
0x23: {  	v0 =	vshrl.u32 v0, $0x3;
	_ =	sdelay $0x3  }
0x24: {  	s13 =	simm.s32 $0x8200  }
0x25: {  	[tilespmem:s13], [sflag:$0x1] =	stream.indirect_vreg.gather [hbm:s3], $0x80, v0, vm0, $0x38;
	[tilespmem:$0x10200] =	vst v63  }
0x26: {  	s14 =	simm.s32 $0x8600;
	s31 =	simm.s32 $0x10  }
0x27: {  	[tilespmem:s14], [sflag:$0x1] =	stream.indirect_vreg.gather [hbm:s3], $0x80, v0, vm1, $0x38;
	[tilespmem:$0x10200] =	vst v63  }
0x28: {  	s14 =	simm.s32 $0x80;
	v0 =	vld.msk [tilespmem:s31+$0x100 ss:$0x1], $0xffff  }
.LBB2_5:
0x29: {  	p0 =	sne.s32 s14, $0x3C0;
	_ =	sdelay $0x4  }
0x2a: {  	v1 =	vshll.u32 v0, $0x4  }
0x2b: {  	vm2 =	veq.s32 v0, $0x80000000;
	v0 =	vshll.u32 v0, $0x13;
	v1 =	vand.u32 $0x7FF80, v1  }
0x2c: {  	v0 =	vand.u32 $0x380000, v0;
	v1 =	vsel vm2, $0xFFFFFF80, v1  }
0x2d: {  	v0 =	vsel vm2, $0xFFF80000, v0;
	v2 =	vand.u32 $0xFFFFFC00, v1  }
0x2e: {  	v1 =	vand.u32 $0x380, v1;
	v0 =	vadd.s32 v0, v2  }
0x2f: {  	v0 =	vor.u32 v1, v0  }
0x30: {  	v0 =	vshrl.u32 v0, $0x3;
	_ =	sdelay $0x3  }
.Ltmp4:
0x31: {  	s13 =	sadd.s32 $0x800, s13;
	(pc) =	sbr.rel @p0 .LBB2_5-.Ltmp4, $4  }
0x32: {  	[tilespmem:s13], [sflag:$0x1] =	stream.indirect_vreg.gather [hbm:s3], $0x80, v0, vm0, $0x38;
	[tilespmem:$0x10200] =	vst v63  }
0x33: {  	s15 =	sshra.s32 s14, $0x2;
	s16 =	sadd.s32 $0x400, s13  }
0x34: {  	[tilespmem:s16], [sflag:$0x1] =	stream.indirect_vreg.gather [hbm:s3], $0x80, v0, vm1, $0x38;
	[tilespmem:$0x10200] =	vst v63  }
0x35: {  	s14 =	sadd.s32 $0x40, s14;
	v0 =	vld.msk [tilespmem:s15+$0x100 ss:$0x1], $0xffff  }
0x36: {  	_ =	sdelay $0x3  }
0x37: {  	v1 =	vshll.u32 v0, $0x4  }
0x38: {  	vm2 =	veq.s32 v0, $0x80000000;
	v63 =	vshll.u32 v0, $0x13;
	v1 =	vand.u32 $0x7FF80, v1  }
0x39: {  	v0 =	vand.u32 $0x380000, v63;
	v1 =	vsel vm2, $0xFFFFFF80, v1  }
0x3a: {  	v0 =	vsel vm2, $0xFFF80000, v0;
	v2 =	vand.u32 $0xFFFFFC00, v1  }
0x3b: {  	v1 =	vand.u32 $0x380, v1;
	v0 =	vadd.s32 v0, v2  }
0x3c: {  	v0 =	vor.u32 v1, v0  }
0x3d: {  	v0 =	vshrl.u32 v0, $0x3;
	_ =	sdelay $0x3  }
0x3e: {  	s13 =	sadd.s32 $0x800, s13  }
0x3f: {  	[tilespmem:s13], [sflag:$0x1] =	stream.indirect_vreg.gather [hbm:s3], $0x80, v0, vm0, $0x38;
	[tilespmem:$0x10200] =	vst v63  }
0x40: {  	s13 =	sadd.s32 $0x400, s13  }
0x41: {  	[tilespmem:s13], [sflag:$0x1] =	stream.indirect_vreg.gather [hbm:s3], $0x80, v0, vm1, $0x38;
	[tilespmem:$0x10200] =	vst v63  }
0x42: {  	s12 =	sshll.u32 s12, $0x4;
	s14 =	simm.s32 $0x80;
	_ =	swait.ge [sflag:s4], $0x8000  }
0x43: {  	s15 =	simm.s32 $0x8600;
	s12 =	sadd.s32 s12, s7;
	[sflag:s4] =	ssyncset.done $0x0  }
0x44: {  	s16 =	sadd.s32 $0x0, s12;
	s13 =	simm.s32 $0x8200;
	[sflag:s4] =	ssyncadd.s32 $0xFFFF8000  }
.LBB2_7:
0x45: {  	[hbm:s16] =	stream.linear.scatter [tilespmem:s13], [sflag:$0x3], $0x400, $0x38;
	[tilespmem:$0x10200] =	vst v63  }
0x46: {  	s16 =	smov.u32 s14;
	s13 =	smov.u32 s15;
	p0 =	sne.s32 s14, $0xF80  }
.Ltmp5:
0x47: {  	s14 =	sadd.s32 $0x80, s14;
	(pc) =	sbr.rel @p0 .LBB2_7-.Ltmp5, $2  }
0x48: {  	_ =	sdelay $0x2  }
0x49: {  	s15 =	sadd.s32 $0x400, s15;
	s16 =	sadd.s32 s16, s12  }
.Ltmp6:
0x4a: {  	(pc) =	sbr.rel .LBB2_9-.Ltmp6, $2  }
0x4b: {  	_ =	sdelay $0x2  }
0x4c: {  	[hbm:s16] =	stream.linear.scatter [tilespmem:s13], [sflag:$0x3], $0x400, $0x38;
	[tilespmem:$0x10200] =	vst v63  }
.LBB2_2:
.Ltmp7:
0x4d: {  	(pc) =	sbr.rel .LBB2_10-.Ltmp7, $4  }
0x4e: {  	_ = 	snop  }
0x4f: {  	s12 =	sshrl.u32 s11, $0x3  }
0x50: {  	s13 =	sand.u32 $0x7, s11;
	s12 =	sadd.s32 s2, s12  }
0x51: {  	[tilespmem:s9], [sflag:$0x2] =	stream.linear.gather [hbm4b:s12+s13], $0x100, $0x38;
	[tilespmem:$0x10200] =	vst v63  }
.LBB2_11:
0x52: {  	s2 =	simm.s32 $0x3  }
0x53: {  	_ =	swait.ge [sflag:s2], $0x8000  }
0x54: {  	[sflag:s2] =	ssyncset.done $0x0  }
0x55: {  	[sflag:s2] =	ssyncadd.s32 $0xFFFF8000  }
0x56: {  	_ =	sfence.sel $0x180000  }
0x57: {  	s3 =	simm.s32 $0x2;
	[bflag:$0x0] =	sbarrier.arrive $0xFFFF  }
0x58: {  	[sflag:s3] =	ssyncpa.u1 $0x1  }
0x59: {  	s31 =	simm.s32 $0x1;
	[sflag:s2] =	ssyncpa.u1 $0x1  }
0x5a: {  	[sflag:s31] =	ssyncpa.u1 $0x1  }
0x5b: {  	p0 =	sne.s32 s1, $0x0;
	_ =	strace $0x90000047  }
0x5c: {  	s0 =	sadd.s32 @!p0 $0x100000, s0;
	[bflag:$0x2] =	sbarrier.arrive $0xFFFF  }
0x5d: {  	[sflag:s0] =	ssyncadd.tile.s32 @!p0 $0x1;
	_ =	shalt  }
.Lfunc_end2:
_tile_overlayer_lowered:
.L_overlay_start_2:
0x5e: {  	(tag) =	ssettag $0x2  }
0x5f: {  	s0 =	rddreg [dreg:$0x0];
	s2 =	stileid.u32  }
0x60: {  	s1 =	rddreg [dreg:$0x1];
	p0 =	sne.s32 s2, $0x0  }
0x61: {  	s3 =	rddreg [dreg:$0x2];
	[bflag:$0x3] =	sbarrier.arrive $0xFFFF;
	s2 =	simm.s32 @!p0 $0x1C01  }
0x62: {  	[timem:s3], [sflag:s2] =	dma.local @!p0 [hbm:s0], s1  }
0x63: {  	s0 =	simm.s32 @!p0 $0x1  }
0x64: {  	_ =	swait.ge @!p0 [sflag:s0], s1  }
0x65: {  	s1 =	ssub.s32 @!p0 $0x0, s1;
	[sflag:s0] =	ssyncset.done @!p0 $0x0  }
0x66: {  	[sflag:s0] =	ssyncadd.s32 @!p0 s1  }
0x67: {  	[bflag:$0x3] =	sbarrier.arrive $0xFFFF  }
0x68: {  	_ =	shalt  }

</sc_bundles>
